<compile_context>
chip_gen: v7x
topology: tpu7x:2x2x1
jax: 0.10.2.dev20260603
libtpu: 0.0.44.dev20260713+nightly
codegen_flags: <defaults>
</compile_context>

<pallas_src>
import functools

import jax
import jax.numpy as jnp
from jax import lax
from jax.experimental import pallas as pl
from jax.experimental.pallas import tpu as pltpu
from jax.experimental.pallas import tpu_sc as plsc

_INFO = plsc.get_sparse_core_info()
_NC = _INFO.num_cores
_NS = _INFO.num_subcores
_NW = _NC * _NS
_L = 16
_R = 8


def _make_lookup(dim, batch):
    assert batch % (_NW * 2 * _R) == 0
    b_per_w = batch // _NW
    n_pairs = b_per_w // (2 * _R)
    mesh = plsc.VectorSubcoreMesh(core_axis_name="c", subcore_axis_name="s")

    @functools.partial(
        pl.kernel,
        mesh=mesh,
        out_type=jax.ShapeDtypeStruct((dim, batch), jnp.float32),
        scratch_types=[
            pltpu.VMEM((b_per_w + _L,), jnp.int32),
            pltpu.VMEM((_R, dim, 128), jnp.float32),
            pltpu.VMEM((_R, dim, 128), jnp.float32),
            pltpu.VMEM((dim, b_per_w), jnp.float32),
            pltpu.SemaphoreType.DMA,
            pltpu.SemaphoreType.DMA,
        ],
        compiler_params=pltpu.CompilerParams(needs_layout_passes=False),
    )
    def lookup(idx_hbm, tab_hbm, out_hbm, idx_v, ring_a, ring_b, outt_v,
               sem_a, sem_b):
        wid = lax.axis_index("s") * _NC + lax.axis_index("c")
        base = wid * b_per_w
        pltpu.sync_copy(
            idx_hbm.at[pl.ds(base, b_per_w)], idx_v.at[pl.ds(0, b_per_w)]
        )

        lanes = lax.iota(jnp.int32, _L)

        def fire(k0, ring, sem):
            v16 = idx_v[pl.ds(k0, _L)]
            for j in range(_R):
                col0 = pl.multiple_of(
                    lax.shift_left(
                        lax.shift_right_logical(v16[j], 7), 7
                    ),
                    128,
                )
                pltpu.async_copy(
                    tab_hbm.at[:, pl.ds(col0, 128)], ring.at[j], sem
                )

        def drain(ring, sem):
            for j in range(_R):
                pltpu.make_async_copy(
                    tab_hbm.at[:, pl.ds(0, 128)], ring.at[j], sem
                ).wait()

        def extract(k0, ring):
            for j in range(_R):
                lsplat = plsc.load_gather(
                    idx_v, [jnp.full((_L,), k0 + j, jnp.int32)]
                )
                lsplat = lax.bitwise_and(lsplat, 127)
                ksplat = jnp.full((_L,), k0 + j, jnp.int32)
                jsplat = jnp.full((_L,), j, jnp.int32)
                for h in range(dim // _L):
                    vals = plsc.load_gather(
                        ring, [jsplat, lanes + h * _L, lsplat]
                    )
                    plsc.store_scatter(
                        outt_v, [lanes + h * _L, ksplat], vals
                    )

        def body(p, carry):
            k0 = p * 2 * _R
            fire(k0, ring_a, sem_a)

            @pl.when(p > 0)
            def _prev():
                drain(ring_b, sem_b)
                extract(k0 - _R, ring_b)

            fire(k0 + _R, ring_b, sem_b)
            drain(ring_a, sem_a)
            extract(k0, ring_a)
            return carry

        lax.fori_loop(0, n_pairs, body, 0)
        drain(ring_b, sem_b)
        extract(b_per_w - _R, ring_b)

        pltpu.sync_copy(outt_v, out_hbm.at[:, pl.ds(base, b_per_w)])

    return lookup


@jax.jit
def kernel(skill_id, emb_weight):
    batch = skill_id.shape[0]
    n_rows, dim = emb_weight.shape
    out_t = _make_lookup(dim, batch)(
        skill_id.astype(jnp.int32), emb_weight.T
    )
    return out_t.T

# --- scband reference (transcript-rebuilt; emitter-appended) ---
"""Pipeline reference for scband-skill-embedding-62620623176261 (READ-ONLY COPY).

The authoritative reference and input builder live on the scoring server;
editing this copy changes nothing except your own understanding.
"""

import jax, jax.numpy as jnp
import numpy as np

N_SKILLS = 1000000
EMBED_DIM = 32
BATCH = 16384

def setup_inputs(seed: int = 0) -> dict:
    key = jax.random.key(seed)
    k_idx, k_tab = jax.random.split(key)
    skill_id = jax.random.randint(k_idx, (BATCH,), 0, N_SKILLS, dtype=jnp.int64 if jax.config.jax_enable_x64 else jnp.int32)
    # nn.Embedding default init: N(0, 1)
    emb_weight = jax.random.normal(k_tab, (N_SKILLS, EMBED_DIM), dtype=jnp.float32)
    return {"skill_id": skill_id, "emb_weight": emb_weight}

def reference(skill_id, emb_weight):
    # discrete skill_id -> continuous embedding (gather rows)
    return jnp.take(emb_weight, skill_id, axis=0)

if __name__ == "__main__":
    import jax
    _d = setup_inputs()
    print(jax.jit(kernel)(*tuple(_d.values())))

</pallas_src>

<mosaic_0001>
#map = affine_map<(d0, d1) -> (0)>
#map1 = affine_map<(d0, d1) -> (0, 0)>
module attributes {stable_mosaic.version = 14 : i64} {
  func.func @lookup(%arg0: i32, %arg1: i32, %arg2: memref<16384xi32, #tpu.memory_space<hbm>>, %arg3: memref<32x1000000xf32, #tpu.memory_space<hbm>>, %arg4: memref<32x16384xf32, #tpu.memory_space<hbm>>, %arg5: memref<528xi32, #tpu.memory_space<vmem>>, %arg6: memref<8x32x128xf32, #tpu.memory_space<vmem>>, %arg7: memref<8x32x128xf32, #tpu.memory_space<vmem>>, %arg8: memref<32x512xf32, #tpu.memory_space<vmem>>, %arg9: memref<!tpu.dma_semaphore, #tpu.memory_space<semaphore_mem>>, %arg10: memref<!tpu.dma_semaphore, #tpu.memory_space<semaphore_mem>>) attributes {dimension_semantics = [#tpu.dimension_semantics<core_parallel>, #tpu.dimension_semantics<subcore_parallel>], iteration_bounds = array<i64: 2, 16>, scalar_prefetch = 0 : i64, scratch_operands = 6 : i64, tpu.core_type = #tpu.core_type<sc_vector_subcore>, window_params = [{transform_indices = #map}, {transform_indices = #map1}, {transform_indices = #map1}]} {
    %mul3A = arith.constant 2 : i32
    %mul3A_0 = arith.muli %arg1, %mul3A : i32
    %add3A = arith.addi %mul3A_0, %arg0 : i32
    %mul3A_1 = arith.constant 512 : i32
    %mul3A_2 = arith.muli %add3A, %mul3A_1 : i32
    "tpu.region"() ({
      %run_scoped3A = tpu.sem_alloc : memref<!tpu.dma_semaphore, #tpu.memory_space<semaphore_mem>>
      %dma_start3A = arith.constant 0 : i32
      %dma_start3A_316 = tpu.memref_slice %arg5[%dma_start3A] : memref<528xi32, #tpu.memory_space<vmem>> -> memref<512xi32, #tpu.memory_space<vmem>>
      %dma_start3A_317 = tpu.memref_slice %arg2[%mul3A_2] : memref<16384xi32, #tpu.memory_space<hbm>> -> memref<512xi32, #tpu.memory_space<hbm>>
      %dma_start3A_318 = arith.constant 0 : i32
      %dma_start3A_319 = tpu.memref_slice %arg5[%dma_start3A_318] : memref<528xi32, #tpu.memory_space<vmem>> -> memref<512xi32, #tpu.memory_space<vmem>>
      %dma_start3A_320 = tpu.memref_slice %arg2[%mul3A_2] : memref<16384xi32, #tpu.memory_space<hbm>> -> memref<512xi32, #tpu.memory_space<hbm>>
      tpu.enqueue_dma source(%dma_start3A_320 : memref<512xi32, #tpu.memory_space<hbm>>) target(%dma_start3A_319 : memref<512xi32, #tpu.memory_space<vmem>>) target_semaphore(%run_scoped3A : memref<!tpu.dma_semaphore, #tpu.memory_space<semaphore_mem>>)
      %dma_wait3A_321 = arith.constant 0 : i32
      %dma_wait3A_322 = tpu.memref_slice %arg5[%dma_wait3A_321] : memref<528xi32, #tpu.memory_space<vmem>> -> memref<512xi32, #tpu.memory_space<vmem>>
      %dma_wait3A_323 = tpu.memref_slice %arg2[%mul3A_2] : memref<16384xi32, #tpu.memory_space<hbm>> -> memref<512xi32, #tpu.memory_space<hbm>>
      %dma_wait3A_324 = arith.constant 0 : i32
      %dma_wait3A_325 = tpu.memref_slice %arg5[%dma_wait3A_324] : memref<528xi32, #tpu.memory_space<vmem>> -> memref<512xi32, #tpu.memory_space<vmem>>
      %dma_wait3A_326 = tpu.memref_slice %arg2[%mul3A_2] : memref<16384xi32, #tpu.memory_space<hbm>> -> memref<512xi32, #tpu.memory_space<hbm>>
      tpu.wait_dma2 semaphore(%run_scoped3A : memref<!tpu.dma_semaphore, #tpu.memory_space<semaphore_mem>>) src(%dma_wait3A_326 : memref<512xi32, #tpu.memory_space<hbm>>) dst(%dma_wait3A_325 : memref<512xi32, #tpu.memory_space<vmem>>)
      tpu.yield
    }) : () -> ()
    %iota3A = tpu.iota {dimensions = array<i32: 0>} : vector<16xi32>
    %scan3A = arith.constant 0 : i32
    %scan3A_3 = arith.constant 0 : i32
    %scan3A_4 = arith.constant 32 : i32
    %scan3A_5 = arith.addi %scan3A_3, %scan3A_4 : i32
    %scan3A_6 = arith.constant 1 : i32
    scf.for %scan3A_316 = %scan3A_3 to %scan3A_5 step %scan3A_6  : i32 {
      %mul3A_317 = arith.constant 2 : i32
      %mul3A_318 = arith.muli %scan3A_316, %mul3A_317 : i32
      %mul3A_319 = arith.constant 8 : i32
      %mul3A_320 = arith.muli %mul3A_318, %mul3A_319 : i32
      %get3A = arith.index_cast %mul3A_320 : i32 to index
      %get3A_321 = tpu.vector_load %arg5[%get3A] {strides = array<i32>} : memref<528xi32, #tpu.memory_space<vmem>>, vector<16xi32>,
      %slice3A = vector.extract_strided_slice %get3A_321 {offsets = [0], sizes = [1], strides = [1]} : vector<16xi32> to vector<1xi32>
      %squeeze3A = vector.extract %slice3A[0] : i32 from vector<1xi32>
      %shift_right_logical3A = arith.constant 7 : i32
      %shift_right_logical3A_322 = arith.shrui %squeeze3A, %shift_right_logical3A : i32
      %shift_left3A = arith.constant 7 : i32
      %shift_left3A_323 = arith.shli %shift_right_logical3A_322, %shift_left3A : i32
      %multiple_of3A = tpu.assume_multiple %shift_left3A_323, 128 : i32
      %dma_start3A = arith.constant 0 : i32
      %dma_start3A_324 = arith.constant 0 : i32
      %dma_start3A_325 = arith.constant 0 : i32
      %dma_start3A_326 = tpu.memref_slice %arg6[%dma_start3A, %dma_start3A_324, %dma_start3A_325] : memref<8x32x128xf32, #tpu.memory_space<vmem>> -> memref<1x32x128xf32, #tpu.memory_space<vmem>>
      %dma_start3A_327 = tpu.memref_squeeze %dma_start3A_326 : memref<1x32x128xf32, #tpu.memory_space<vmem>> -> memref<32x128xf32, #tpu.memory_space<vmem>>
      %dma_start3A_328 = arith.constant 0 : i32
      %dma_start3A_329 = tpu.memref_slice %arg3[%dma_start3A_328, %multiple_of3A] : memref<32x1000000xf32, #tpu.memory_space<hbm>> -> memref<32x128xf32, #tpu.memory_space<hbm>>
      %dma_start3A_330 = arith.constant 0 : i32
      %dma_start3A_331 = arith.constant 0 : i32
      %dma_start3A_332 = tpu.memref_slice %arg6[%dma_start3A, %dma_start3A_330, %dma_start3A_331] : memref<8x32x128xf32, #tpu.memory_space<vmem>> -> memref<1x32x128xf32, #tpu.memory_space<vmem>>
      %dma_start3A_333 = tpu.memref_squeeze %dma_start3A_332 : memref<1x32x128xf32, #tpu.memory_space<vmem>> -> memref<32x128xf32, #tpu.memory_space<vmem>>
      %dma_start3A_334 = arith.constant 0 : i32
      %dma_start3A_335 = tpu.memref_slice %arg3[%dma_start3A_334, %multiple_of3A] : memref<32x1000000xf32, #tpu.memory_space<hbm>> -> memref<32x128xf32, #tpu.memory_space<hbm>>
      tpu.enqueue_dma source(%dma_start3A_335 : memref<32x128xf32, #tpu.memory_space<hbm>>) target(%dma_start3A_333 : memref<32x128xf32, #tpu.memory_space<vmem>>) target_semaphore(%arg9 : memref<!tpu.dma_semaphore, #tpu.memory_space<semaphore_mem>>)
      %slice3A_336 = vector.extract_strided_slice %get3A_321 {offsets = [1], sizes = [1], strides = [1]} : vector<16xi32> to vector<1xi32>
      %squeeze3A_337 = vector.extract %slice3A_336[0] : i32 from vector<1xi32>
      %shift_right_logical3A_338 = arith.constant 7 : i32
      %shift_right_logical3A_339 = arith.shrui %squeeze3A_337, %shift_right_logical3A_338 : i32
      %shift_left3A_340 = arith.constant 7 : i32
      %shift_left3A_341 = arith.shli %shift_right_logical3A_339, %shift_left3A_340 : i32
      %multiple_of3A_342 = tpu.assume_multiple %shift_left3A_341, 128 : i32
      %dma_start3A_343 = arith.constant 1 : i32
      %dma_start3A_344 = arith.constant 0 : i32
      %dma_start3A_345 = arith.constant 0 : i32
      %dma_start3A_346 = tpu.memref_slice %arg6[%dma_start3A_343, %dma_start3A_344, %dma_start3A_345] : memref<8x32x128xf32, #tpu.memory_space<vmem>> -> memref<1x32x128xf32, #tpu.memory_space<vmem>>
      %dma_start3A_347 = tpu.memref_squeeze %dma_start3A_346 : memref<1x32x128xf32, #tpu.memory_space<vmem>> -> memref<32x128xf32, #tpu.memory_space<vmem>>
      %dma_start3A_348 = arith.constant 0 : i32
      %dma_start3A_349 = tpu.memref_slice %arg3[%dma_start3A_348, %multiple_of3A_342] : memref<32x1000000xf32, #tpu.memory_space<hbm>> -> memref<32x128xf32, #tpu.memory_space<hbm>>
      %dma_start3A_350 = arith.constant 0 : i32
      %dma_start3A_351 = arith.constant 0 : i32
      %dma_start3A_352 = tpu.memref_slice %arg6[%dma_start3A_343, %dma_start3A_350, %dma_start3A_351] : memref<8x32x128xf32, #tpu.memory_space<vmem>> -> memref<1x32x128xf32, #tpu.memory_space<vmem>>
      %dma_start3A_353 = tpu.memref_squeeze %dma_start3A_352 : memref<1x32x128xf32, #tpu.memory_space<vmem>> -> memref<32x128xf32, #tpu.memory_space<vmem>>
      %dma_start3A_354 = arith.constant 0 : i32
      %dma_start3A_355 = tpu.memref_slice %arg3[%dma_start3A_354, %multiple_of3A_342] : memref<32x1000000xf32, #tpu.memory_space<hbm>> -> memref<32x128xf32, #tpu.memory_space<hbm>>
      tpu.enqueue_dma source(%dma_start3A_355 : memref<32x128xf32, #tpu.memory_space<hbm>>) target(%dma_start3A_353 : memref<32x128xf32, #tpu.memory_space<vmem>>) target_semaphore(%arg9 : memref<!tpu.dma_semaphore, #tpu.memory_space<semaphore_mem>>)
      %slice3A_356 = vector.extract_strided_slice %get3A_321 {offsets = [2], sizes = [1], strides = [1]} : vector<16xi32> to vector<1xi32>
      %squeeze3A_357 = vector.extract %slice3A_356[0] : i32 from vector<1xi32>
      %shift_right_logical3A_358 = arith.constant 7 : i32
      %shift_right_logical3A_359 = arith.shrui %squeeze3A_357, %shift_right_logical3A_358 : i32
      %shift_left3A_360 = arith.constant 7 : i32
      %shift_left3A_361 = arith.shli %shift_right_logical3A_359, %shift_left3A_360 : i32
      %multiple_of3A_362 = tpu.assume_multiple %shift_left3A_361, 128 : i32
      %dma_start3A_363 = arith.constant 2 : i32
      %dma_start3A_364 = arith.constant 0 : i32
      %dma_start3A_365 = arith.constant 0 : i32
      %dma_start3A_366 = tpu.memref_slice %arg6[%dma_start3A_363, %dma_start3A_364, %dma_start3A_365] : memref<8x32x128xf32, #tpu.memory_space<vmem>> -> memref<1x32x128xf32, #tpu.memory_space<vmem>>
      %dma_start3A_367 = tpu.memref_squeeze %dma_start3A_366 : memref<1x32x128xf32, #tpu.memory_space<vmem>> -> memref<32x128xf32, #tpu.memory_space<vmem>>
      %dma_start3A_368 = arith.constant 0 : i32
      %dma_start3A_369 = tpu.memref_slice %arg3[%dma_start3A_368, %multiple_of3A_362] : memref<32x1000000xf32, #tpu.memory_space<hbm>> -> memref<32x128xf32, #tpu.memory_space<hbm>>
      %dma_start3A_370 = arith.constant 0 : i32
      %dma_start3A_371 = arith.constant 0 : i32
      %dma_start3A_372 = tpu.memref_slice %arg6[%dma_start3A_363, %dma_start3A_370, %dma_start3A_371] : memref<8x32x128xf32, #tpu.memory_space<vmem>> -> memref<1x32x128xf32, #tpu.memory_space<vmem>>
      %dma_start3A_373 = tpu.memref_squeeze %dma_start3A_372 : memref<1x32x128xf32, #tpu.memory_space<vmem>> -> memref<32x128xf32, #tpu.memory_space<vmem>>
      %dma_start3A_374 = arith.constant 0 : i32
      %dma_start3A_375 = tpu.memref_slice %arg3[%dma_start3A_374, %multiple_of3A_362] : memref<32x1000000xf32, #tpu.memory_space<hbm>> -> memref<32x128xf32, #tpu.memory_space<hbm>>
      tpu.enqueue_dma source(%dma_start3A_375 : memref<32x128xf32, #tpu.memory_space<hbm>>) target(%dma_start3A_373 : memref<32x128xf32, #tpu.memory_space<vmem>>) target_semaphore(%arg9 : memref<!tpu.dma_semaphore, #tpu.memory_space<semaphore_mem>>)
      %slice3A_376 = vector.extract_strided_slice %get3A_321 {offsets = [3], sizes = [1], strides = [1]} : vector<16xi32> to vector<1xi32>
      %squeeze3A_377 = vector.extract %slice3A_376[0] : i32 from vector<1xi32>
      %shift_right_logical3A_378 = arith.constant 7 : i32
      %shift_right_logical3A_379 = arith.shrui %squeeze3A_377, %shift_right_logical3A_378 : i32
      %shift_left3A_380 = arith.constant 7 : i32
      %shift_left3A_381 = arith.shli %shift_right_logical3A_379, %shift_left3A_380 : i32
      %multiple_of3A_382 = tpu.assume_multiple %shift_left3A_381, 128 : i32
      %dma_start3A_383 = arith.constant 3 : i32
      %dma_start3A_384 = arith.constant 0 : i32
      %dma_start3A_385 = arith.constant 0 : i32
      %dma_start3A_386 = tpu.memref_slice %arg6[%dma_start3A_383, %dma_start3A_384, %dma_start3A_385] : memref<8x32x128xf32, #tpu.memory_space<vmem>> -> memref<1x32x128xf32, #tpu.memory_space<vmem>>
      %dma_start3A_387 = tpu.memref_squeeze %dma_start3A_386 : memref<1x32x128xf32, #tpu.memory_space<vmem>> -> memref<32x128xf32, #tpu.memory_space<vmem>>
      %dma_start3A_388 = arith.constant 0 : i32
      %dma_start3A_389 = tpu.memref_slice %arg3[%dma_start3A_388, %multiple_of3A_382] : memref<32x1000000xf32, #tpu.memory_space<hbm>> -> memref<32x128xf32, #tpu.memory_space<hbm>>
      %dma_start3A_390 = arith.constant 0 : i32
      %dma_start3A_391 = arith.constant 0 : i32
      %dma_start3A_392 = tpu.memref_slice %arg6[%dma_start3A_383, %dma_start3A_390, %dma_start3A_391] : memref<8x32x128xf32, #tpu.memory_space<vmem>> -> memref<1x32x128xf32, #tpu.memory_space<vmem>>
      %dma_start3A_393 = tpu.memref_squeeze %dma_start3A_392 : memref<1x32x128xf32, #tpu.memory_space<vmem>> -> memref<32x128xf32, #tpu.memory_space<vmem>>
      %dma_start3A_394 = arith.constant 0 : i32
      %dma_start3A_395 = tpu.memref_slice %arg3[%dma_start3A_394, %multiple_of3A_382] : memref<32x1000000xf32, #tpu.memory_space<hbm>> -> memref<32x128xf32, #tpu.memory_space<hbm>>
      tpu.enqueue_dma source(%dma_start3A_395 : memref<32x128xf32, #tpu.memory_space<hbm>>) target(%dma_start3A_393 : memref<32x128xf32, #tpu.memory_space<vmem>>) target_semaphore(%arg9 : memref<!tpu.dma_semaphore, #tpu.memory_space<semaphore_mem>>)
      %slice3A_396 = vector.extract_strided_slice %get3A_321 {offsets = [4], sizes = [1], strides = [1]} : vector<16xi32> to vector<1xi32>
      %squeeze3A_397 = vector.extract %slice3A_396[0] : i32 from vector<1xi32>
      %shift_right_logical3A_398 = arith.constant 7 : i32
      %shift_right_logical3A_399 = arith.shrui %squeeze3A_397, %shift_right_logical3A_398 : i32
      %shift_left3A_400 = arith.constant 7 : i32
      %shift_left3A_401 = arith.shli %shift_right_logical3A_399, %shift_left3A_400 : i32
      %multiple_of3A_402 = tpu.assume_multiple %shift_left3A_401, 128 : i32
      %dma_start3A_403 = arith.constant 4 : i32
      %dma_start3A_404 = arith.constant 0 : i32
      %dma_start3A_405 = arith.constant 0 : i32
      %dma_start3A_406 = tpu.memref_slice %arg6[%dma_start3A_403, %dma_start3A_404, %dma_start3A_405] : memref<8x32x128xf32, #tpu.memory_space<vmem>> -> memref<1x32x128xf32, #tpu.memory_space<vmem>>
      %dma_start3A_407 = tpu.memref_squeeze %dma_start3A_406 : memref<1x32x128xf32, #tpu.memory_space<vmem>> -> memref<32x128xf32, #tpu.memory_space<vmem>>
      %dma_start3A_408 = arith.constant 0 : i32
      %dma_start3A_409 = tpu.memref_slice %arg3[%dma_start3A_408, %multiple_of3A_402] : memref<32x1000000xf32, #tpu.memory_space<hbm>> -> memref<32x128xf32, #tpu.memory_space<hbm>>
      %dma_start3A_410 = arith.constant 0 : i32
      %dma_start3A_411 = arith.constant 0 : i32
      %dma_start3A_412 = tpu.memref_slice %arg6[%dma_start3A_403, %dma_start3A_410, %dma_start3A_411] : memref<8x32x128xf32, #tpu.memory_space<vmem>> -> memref<1x32x128xf32, #tpu.memory_space<vmem>>
      %dma_start3A_413 = tpu.memref_squeeze %dma_start3A_412 : memref<1x32x128xf32, #tpu.memory_space<vmem>> -> memref<32x128xf32, #tpu.memory_space<vmem>>
      %dma_start3A_414 = arith.constant 0 : i32
      %dma_start3A_415 = tpu.memref_slice %arg3[%dma_start3A_414, %multiple_of3A_402] : memref<32x1000000xf32, #tpu.memory_space<hbm>> -> memref<32x128xf32, #tpu.memory_space<hbm>>
      tpu.enqueue_dma source(%dma_start3A_415 : memref<32x128xf32, #tpu.memory_space<hbm>>) target(%dma_start3A_413 : memref<32x128xf32, #tpu.memory_space<vmem>>) target_semaphore(%arg9 : memref<!tpu.dma_semaphore, #tpu.memory_space<semaphore_mem>>)
      %slice3A_416 = vector.extract_strided_slice %get3A_321 {offsets = [5], sizes = [1], strides = [1]} : vector<16xi32> to vector<1xi32>
      %squeeze3A_417 = vector.extract %slice3A_416[0] : i32 from vector<1xi32>
      %shift_right_logical3A_418 = arith.constant 7 : i32
      %shift_right_logical3A_419 = arith.shrui %squeeze3A_417, %shift_right_logical3A_418 : i32
      %shift_left3A_420 = arith.constant 7 : i32
      %shift_left3A_421 = arith.shli %shift_right_logical3A_419, %shift_left3A_420 : i32
      %multiple_of3A_422 = tpu.assume_multiple %shift_left3A_421, 128 : i32
      %dma_start3A_423 = arith.constant 5 : i32
      %dma_start3A_424 = arith.constant 0 : i32
      %dma_start3A_425 = arith.constant 0 : i32
      %dma_start3A_426 = tpu.memref_slice %arg6[%dma_start3A_423, %dma_start3A_424, %dma_start3A_425] : memref<8x32x128xf32, #tpu.memory_space<vmem>> -> memref<1x32x128xf32, #tpu.memory_space<vmem>>
      %dma_start3A_427 = tpu.memref_squeeze %dma_start3A_426 : memref<1x32x128xf32, #tpu.memory_space<vmem>> -> memref<32x128xf32, #tpu.memory_space<vmem>>
      %dma_start3A_428 = arith.constant 0 : i32
      %dma_start3A_429 = tpu.memref_slice %arg3[%dma_start3A_428, %multiple_of3A_422] : memref<32x1000000xf32, #tpu.memory_space<hbm>> -> memref<32x128xf32, #tpu.memory_space<hbm>>
      %dma_start3A_430 = arith.constant 0 : i32
      %dma_start3A_431 = arith.constant 0 : i32
      %dma_start3A_432 = tpu.memref_slice %arg6[%dma_start3A_423, %dma_start3A_430, %dma_start3A_431] : memref<8x32x128xf32, #tpu.memory_space<vmem>> -> memref<1x32x128xf32, #tpu.memory_space<vmem>>
      %dma_start3A_433 = tpu.memref_squeeze %dma_start3A_432 : memref<1x32x128xf32, #tpu.memory_space<vmem>> -> memref<32x128xf32, #tpu.memory_space<vmem>>
      %dma_start3A_434 = arith.constant 0 : i32
      %dma_start3A_435 = tpu.memref_slice %arg3[%dma_start3A_434, %multiple_of3A_422] : memref<32x1000000xf32, #tpu.memory_space<hbm>> -> memref<32x128xf32, #tpu.memory_space<hbm>>
      tpu.enqueue_dma source(%dma_start3A_435 : memref<32x128xf32, #tpu.memory_space<hbm>>) target(%dma_start3A_433 : memref<32x128xf32, #tpu.memory_space<vmem>>) target_semaphore(%arg9 : memref<!tpu.dma_semaphore, #tpu.memory_space<semaphore_mem>>)
      %slice3A_436 = vector.extract_strided_slice %get3A_321 {offsets = [6], sizes = [1], strides = [1]} : vector<16xi32> to vector<1xi32>
      %squeeze3A_437 = vector.extract %slice3A_436[0] : i32 from vector<1xi32>
      %shift_right_logical3A_438 = arith.constant 7 : i32
      %shift_right_logical3A_439 = arith.shrui %squeeze3A_437, %shift_right_logical3A_438 : i32
      %shift_left3A_440 = arith.constant 7 : i32
      %shift_left3A_441 = arith.shli %shift_right_logical3A_439, %shift_left3A_440 : i32
      %multiple_of3A_442 = tpu.assume_multiple %shift_left3A_441, 128 : i32
      %dma_start3A_443 = arith.constant 6 : i32
      %dma_start3A_444 = arith.constant 0 : i32
      %dma_start3A_445 = arith.constant 0 : i32
      %dma_start3A_446 = tpu.memref_slice %arg6[%dma_start3A_443, %dma_start3A_444, %dma_start3A_445] : memref<8x32x128xf32, #tpu.memory_space<vmem>> -> memref<1x32x128xf32, #tpu.memory_space<vmem>>
      %dma_start3A_447 = tpu.memref_squeeze %dma_start3A_446 : memref<1x32x128xf32, #tpu.memory_space<vmem>> -> memref<32x128xf32, #tpu.memory_space<vmem>>
      %dma_start3A_448 = arith.constant 0 : i32
      %dma_start3A_449 = tpu.memref_slice %arg3[%dma_start3A_448, %multiple_of3A_442] : memref<32x1000000xf32, #tpu.memory_space<hbm>> -> memref<32x128xf32, #tpu.memory_space<hbm>>
      %dma_start3A_450 = arith.constant 0 : i32
      %dma_start3A_451 = arith.constant 0 : i32
      %dma_start3A_452 = tpu.memref_slice %arg6[%dma_start3A_443, %dma_start3A_450, %dma_start3A_451] : memref<8x32x128xf32, #tpu.memory_space<vmem>> -> memref<1x32x128xf32, #tpu.memory_space<vmem>>
      %dma_start3A_453 = tpu.memref_squeeze %dma_start3A_452 : memref<1x32x128xf32, #tpu.memory_space<vmem>> -> memref<32x128xf32, #tpu.memory_space<vmem>>
      %dma_start3A_454 = arith.constant 0 : i32
      %dma_start3A_455 = tpu.memref_slice %arg3[%dma_start3A_454, %multiple_of3A_442] : memref<32x1000000xf32, #tpu.memory_space<hbm>> -> memref<32x128xf32, #tpu.memory_space<hbm>>
      tpu.enqueue_dma source(%dma_start3A_455 : memref<32x128xf32, #tpu.memory_space<hbm>>) target(%dma_start3A_453 : memref<32x128xf32, #tpu.memory_space<vmem>>) target_semaphore(%arg9 : memref<!tpu.dma_semaphore, #tpu.memory_space<semaphore_mem>>)
      %slice3A_456 = vector.extract_strided_slice %get3A_321 {offsets = [7], sizes = [1], strides = [1]} : vector<16xi32> to vector<1xi32>
      %squeeze3A_457 = vector.extract %slice3A_456[0] : i32 from vector<1xi32>
      %shift_right_logical3A_458 = arith.constant 7 : i32
      %shift_right_logical3A_459 = arith.shrui %squeeze3A_457, %shift_right_logical3A_458 : i32
      %shift_left3A_460 = arith.constant 7 : i32
      %shift_left3A_461 = arith.shli %shift_right_logical3A_459, %shift_left3A_460 : i32
      %multiple_of3A_462 = tpu.assume_multiple %shift_left3A_461, 128 : i32
      %dma_start3A_463 = arith.constant 7 : i32
      %dma_start3A_464 = arith.constant 0 : i32
      %dma_start3A_465 = arith.constant 0 : i32
      %dma_start3A_466 = tpu.memref_slice %arg6[%dma_start3A_463, %dma_start3A_464, %dma_start3A_465] : memref<8x32x128xf32, #tpu.memory_space<vmem>> -> memref<1x32x128xf32, #tpu.memory_space<vmem>>
      %dma_start3A_467 = tpu.memref_squeeze %dma_start3A_466 : memref<1x32x128xf32, #tpu.memory_space<vmem>> -> memref<32x128xf32, #tpu.memory_space<vmem>>
      %dma_start3A_468 = arith.constant 0 : i32
      %dma_start3A_469 = tpu.memref_slice %arg3[%dma_start3A_468, %multiple_of3A_462] : memref<32x1000000xf32, #tpu.memory_space<hbm>> -> memref<32x128xf32, #tpu.memory_space<hbm>>
      %dma_start3A_470 = arith.constant 0 : i32
      %dma_start3A_471 = arith.constant 0 : i32
      %dma_start3A_472 = tpu.memref_slice %arg6[%dma_start3A_463, %dma_start3A_470, %dma_start3A_471] : memref<8x32x128xf32, #tpu.memory_space<vmem>> -> memref<1x32x128xf32, #tpu.memory_space<vmem>>
      %dma_start3A_473 = tpu.memref_squeeze %dma_start3A_472 : memref<1x32x128xf32, #tpu.memory_space<vmem>> -> memref<32x128xf32, #tpu.memory_space<vmem>>
      %dma_start3A_474 = arith.constant 0 : i32
      %dma_start3A_475 = tpu.memref_slice %arg3[%dma_start3A_474, %multiple_of3A_462] : memref<32x1000000xf32, #tpu.memory_space<hbm>> -> memref<32x128xf32, #tpu.memory_space<hbm>>
      tpu.enqueue_dma source(%dma_start3A_475 : memref<32x128xf32, #tpu.memory_space<hbm>>) target(%dma_start3A_473 : memref<32x128xf32, #tpu.memory_space<vmem>>) target_semaphore(%arg9 : memref<!tpu.dma_semaphore, #tpu.memory_space<semaphore_mem>>)
      %gt3A = arith.constant 0 : i32
      %gt3A_476 = arith.cmpi sgt, %scan3A_316, %gt3A : i32
      %convert_element_type3A = arith.extui %gt3A_476 : i1 to i32
      %cond3A = arith.constant 0 : i32
      %cond3A_477 = arith.cmpi ne, %convert_element_type3A, %cond3A : i32
      scf.if %cond3A_477 {
        %dma_wait3A_970 = arith.constant 0 : i32
        %dma_wait3A_971 = arith.constant 0 : i32
        %dma_wait3A_972 = arith.constant 0 : i32
        %dma_wait3A_973 = tpu.memref_slice %arg7[%dma_wait3A_970, %dma_wait3A_971, %dma_wait3A_972] : memref<8x32x128xf32, #tpu.memory_space<vmem>> -> memref<1x32x128xf32, #tpu.memory_space<vmem>>
        %dma_wait3A_974 = tpu.memref_squeeze %dma_wait3A_973 : memref<1x32x128xf32, #tpu.memory_space<vmem>> -> memref<32x128xf32, #tpu.memory_space<vmem>>
        %dma_wait3A_975 = arith.constant 0 : i32
        %dma_wait3A_976 = arith.constant 0 : i32
        %dma_wait3A_977 = tpu.memref_slice %arg3[%dma_wait3A_975, %dma_wait3A_976] : memref<32x1000000xf32, #tpu.memory_space<hbm>> -> memref<32x128xf32, #tpu.memory_space<hbm>>
        %dma_wait3A_978 = arith.constant 0 : i32
        %dma_wait3A_979 = arith.constant 0 : i32
        %dma_wait3A_980 = tpu.memref_slice %arg7[%dma_wait3A_970, %dma_wait3A_978, %dma_wait3A_979] : memref<8x32x128xf32, #tpu.memory_space<vmem>> -> memref<1x32x128xf32, #tpu.memory_space<vmem>>
        %dma_wait3A_981 = tpu.memref_squeeze %dma_wait3A_980 : memref<1x32x128xf32, #tpu.memory_space<vmem>> -> memref<32x128xf32, #tpu.memory_space<vmem>>
        %dma_wait3A_982 = arith.constant 0 : i32
        %dma_wait3A_983 = arith.constant 0 : i32
        %dma_wait3A_984 = tpu.memref_slice %arg3[%dma_wait3A_982, %dma_wait3A_983] : memref<32x1000000xf32, #tpu.memory_space<hbm>> -> memref<32x128xf32, #tpu.memory_space<hbm>>
        tpu.wait_dma2 semaphore(%arg10 : memref<!tpu.dma_semaphore, #tpu.memory_space<semaphore_mem>>) src(%dma_wait3A_984 : memref<32x128xf32, #tpu.memory_space<hbm>>) dst(%dma_wait3A_981 : memref<32x128xf32, #tpu.memory_space<vmem>>)
        %dma_wait3A_985 = arith.constant 1 : i32
        %dma_wait3A_986 = arith.constant 0 : i32
        %dma_wait3A_987 = arith.constant 0 : i32
        %dma_wait3A_988 = tpu.memref_slice %arg7[%dma_wait3A_985, %dma_wait3A_986, %dma_wait3A_987] : memref<8x32x128xf32, #tpu.memory_space<vmem>> -> memref<1x32x128xf32, #tpu.memory_space<vmem>>
        %dma_wait3A_989 = tpu.memref_squeeze %dma_wait3A_988 : memref<1x32x128xf32, #tpu.memory_space<vmem>> -> memref<32x128xf32, #tpu.memory_space<vmem>>
        %dma_wait3A_990 = arith.constant 0 : i32
        %dma_wait3A_991 = arith.constant 0 : i32
        %dma_wait3A_992 = tpu.memref_slice %arg3[%dma_wait3A_990, %dma_wait3A_991] : memref<32x1000000xf32, #tpu.memory_space<hbm>> -> memref<32x128xf32, #tpu.memory_space<hbm>>
        %dma_wait3A_993 = arith.constant 0 : i32
        %dma_wait3A_994 = arith.constant 0 : i32
        %dma_wait3A_995 = tpu.memref_slice %arg7[%dma_wait3A_985, %dma_wait3A_993, %dma_wait3A_994] : memref<8x32x128xf32, #tpu.memory_space<vmem>> -> memref<1x32x128xf32, #tpu.memory_space<vmem>>
        %dma_wait3A_996 = tpu.memref_squeeze %dma_wait3A_995 : memref<1x32x128xf32, #tpu.memory_space<vmem>> -> memref<32x128xf32, #tpu.memory_space<vmem>>
        %dma_wait3A_997 = arith.constant 0 : i32
        %dma_wait3A_998 = arith.constant 0 : i32
        %dma_wait3A_999 = tpu.memref_slice %arg3[%dma_wait3A_997, %dma_wait3A_998] : memref<32x1000000xf32, #tpu.memory_space<hbm>> -> memref<32x128xf32, #tpu.memory_space<hbm>>
        tpu.wait_dma2 semaphore(%arg10 : memref<!tpu.dma_semaphore, #tpu.memory_space<semaphore_mem>>) src(%dma_wait3A_999 : memref<32x128xf32, #tpu.memory_space<hbm>>) dst(%dma_wait3A_996 : memref<32x128xf32, #tpu.memory_space<vmem>>)
        %dma_wait3A_1000 = arith.constant 2 : i32
        %dma_wait3A_1001 = arith.constant 0 : i32
        %dma_wait3A_1002 = arith.constant 0 : i32
        %dma_wait3A_1003 = tpu.memref_slice %arg7[%dma_wait3A_1000, %dma_wait3A_1001, %dma_wait3A_1002] : memref<8x32x128xf32, #tpu.memory_space<vmem>> -> memref<1x32x128xf32, #tpu.memory_space<vmem>>
        %dma_wait3A_1004 = tpu.memref_squeeze %dma_wait3A_1003 : memref<1x32x128xf32, #tpu.memory_space<vmem>> -> memref<32x128xf32, #tpu.memory_space<vmem>>
        %dma_wait3A_1005 = arith.constant 0 : i32
        %dma_wait3A_1006 = arith.constant 0 : i32
        %dma_wait3A_1007 = tpu.memref_slice %arg3[%dma_wait3A_1005, %dma_wait3A_1006] : memref<32x1000000xf32, #tpu.memory_space<hbm>> -> memref<32x128xf32, #tpu.memory_space<hbm>>
        %dma_wait3A_1008 = arith.constant 0 : i32
        %dma_wait3A_1009 = arith.constant 0 : i32
        %dma_wait3A_1010 = tpu.memref_slice %arg7[%dma_wait3A_1000, %dma_wait3A_1008, %dma_wait3A_1009] : memref<8x32x128xf32, #tpu.memory_space<vmem>> -> memref<1x32x128xf32, #tpu.memory_space<vmem>>
        %dma_wait3A_1011 = tpu.memref_squeeze %dma_wait3A_1010 : memref<1x32x128xf32, #tpu.memory_space<vmem>> -> memref<32x128xf32, #tpu.memory_space<vmem>>
        %dma_wait3A_1012 = arith.constant 0 : i32
        %dma_wait3A_1013 = arith.constant 0 : i32
        %dma_wait3A_1014 = tpu.memref_slice %arg3[%dma_wait3A_1012, %dma_wait3A_1013] : memref<32x1000000xf32, #tpu.memory_space<hbm>> -> memref<32x128xf32, #tpu.memory_space<hbm>>
        tpu.wait_dma2 semaphore(%arg10 : memref<!tpu.dma_semaphore, #tpu.memory_space<semaphore_mem>>) src(%dma_wait3A_1014 : memref<32x128xf32, #tpu.memory_space<hbm>>) dst(%dma_wait3A_1011 : memref<32x128xf32, #tpu.memory_space<vmem>>)
        %dma_wait3A_1015 = arith.constant 3 : i32
        %dma_wait3A_1016 = arith.constant 0 : i32
        %dma_wait3A_1017 = arith.constant 0 : i32
        %dma_wait3A_1018 = tpu.memref_slice %arg7[%dma_wait3A_1015, %dma_wait3A_1016, %dma_wait3A_1017] : memref<8x32x128xf32, #tpu.memory_space<vmem>> -> memref<1x32x128xf32, #tpu.memory_space<vmem>>
        %dma_wait3A_1019 = tpu.memref_squeeze %dma_wait3A_1018 : memref<1x32x128xf32, #tpu.memory_space<vmem>> -> memref<32x128xf32, #tpu.memory_space<vmem>>
        %dma_wait3A_1020 = arith.constant 0 : i32
        %dma_wait3A_1021 = arith.constant 0 : i32
        %dma_wait3A_1022 = tpu.memref_slice %arg3[%dma_wait3A_1020, %dma_wait3A_1021] : memref<32x1000000xf32, #tpu.memory_space<hbm>> -> memref<32x128xf32, #tpu.memory_space<hbm>>
        %dma_wait3A_1023 = arith.constant 0 : i32
        %dma_wait3A_1024 = arith.constant 0 : i32
        %dma_wait3A_1025 = tpu.memref_slice %arg7[%dma_wait3A_1015, %dma_wait3A_1023, %dma_wait3A_1024] : memref<8x32x128xf32, #tpu.memory_space<vmem>> -> memref<1x32x128xf32, #tpu.memory_space<vmem>>
        %dma_wait3A_1026 = tpu.memref_squeeze %dma_wait3A_1025 : memref<1x32x128xf32, #tpu.memory_space<vmem>> -> memref<32x128xf32, #tpu.memory_space<vmem>>
        %dma_wait3A_1027 = arith.constant 0 : i32
        %dma_wait3A_1028 = arith.constant 0 : i32
        %dma_wait3A_1029 = tpu.memref_slice %arg3[%dma_wait3A_1027, %dma_wait3A_1028] : memref<32x1000000xf32, #tpu.memory_space<hbm>> -> memref<32x128xf32, #tpu.memory_space<hbm>>
        tpu.wait_dma2 semaphore(%arg10 : memref<!tpu.dma_semaphore, #tpu.memory_space<semaphore_mem>>) src(%dma_wait3A_1029 : memref<32x128xf32, #tpu.memory_space<hbm>>) dst(%dma_wait3A_1026 : memref<32x128xf32, #tpu.memory_space<vmem>>)
        %dma_wait3A_1030 = arith.constant 4 : i32
        %dma_wait3A_1031 = arith.constant 0 : i32
        %dma_wait3A_1032 = arith.constant 0 : i32
        %dma_wait3A_1033 = tpu.memref_slice %arg7[%dma_wait3A_1030, %dma_wait3A_1031, %dma_wait3A_1032] : memref<8x32x128xf32, #tpu.memory_space<vmem>> -> memref<1x32x128xf32, #tpu.memory_space<vmem>>
        %dma_wait3A_1034 = tpu.memref_squeeze %dma_wait3A_1033 : memref<1x32x128xf32, #tpu.memory_space<vmem>> -> memref<32x128xf32, #tpu.memory_space<vmem>>
        %dma_wait3A_1035 = arith.constant 0 : i32
        %dma_wait3A_1036 = arith.constant 0 : i32
        %dma_wait3A_1037 = tpu.memref_slice %arg3[%dma_wait3A_1035, %dma_wait3A_1036] : memref<32x1000000xf32, #tpu.memory_space<hbm>> -> memref<32x128xf32, #tpu.memory_space<hbm>>
        %dma_wait3A_1038 = arith.constant 0 : i32
        %dma_wait3A_1039 = arith.constant 0 : i32
        %dma_wait3A_1040 = tpu.memref_slice %arg7[%dma_wait3A_1030, %dma_wait3A_1038, %dma_wait3A_1039] : memref<8x32x128xf32, #tpu.memory_space<vmem>> -> memref<1x32x128xf32, #tpu.memory_space<vmem>>
        %dma_wait3A_1041 = tpu.memref_squeeze %dma_wait3A_1040 : memref<1x32x128xf32, #tpu.memory_space<vmem>> -> memref<32x128xf32, #tpu.memory_space<vmem>>
        %dma_wait3A_1042 = arith.constant 0 : i32
        %dma_wait3A_1043 = arith.constant 0 : i32
        %dma_wait3A_1044 = tpu.memref_slice %arg3[%dma_wait3A_1042, %dma_wait3A_1043] : memref<32x1000000xf32, #tpu.memory_space<hbm>> -> memref<32x128xf32, #tpu.memory_space<hbm>>
        tpu.wait_dma2 semaphore(%arg10 : memref<!tpu.dma_semaphore, #tpu.memory_space<semaphore_mem>>) src(%dma_wait3A_1044 : memref<32x128xf32, #tpu.memory_space<hbm>>) dst(%dma_wait3A_1041 : memref<32x128xf32, #tpu.memory_space<vmem>>)
        %dma_wait3A_1045 = arith.constant 5 : i32
        %dma_wait3A_1046 = arith.constant 0 : i32
        %dma_wait3A_1047 = arith.constant 0 : i32
        %dma_wait3A_1048 = tpu.memref_slice %arg7[%dma_wait3A_1045, %dma_wait3A_1046, %dma_wait3A_1047] : memref<8x32x128xf32, #tpu.memory_space<vmem>> -> memref<1x32x128xf32, #tpu.memory_space<vmem>>
        %dma_wait3A_1049 = tpu.memref_squeeze %dma_wait3A_1048 : memref<1x32x128xf32, #tpu.memory_space<vmem>> -> memref<32x128xf32, #tpu.memory_space<vmem>>
        %dma_wait3A_1050 = arith.constant 0 : i32
        %dma_wait3A_1051 = arith.constant 0 : i32
        %dma_wait3A_1052 = tpu.memref_slice %arg3[%dma_wait3A_1050, %dma_wait3A_1051] : memref<32x1000000xf32, #tpu.memory_space<hbm>> -> memref<32x128xf32, #tpu.memory_space<hbm>>
        %dma_wait3A_1053 = arith.constant 0 : i32
        %dma_wait3A_1054 = arith.constant 0 : i32
        %dma_wait3A_1055 = tpu.memref_slice %arg7[%dma_wait3A_1045, %dma_wait3A_1053, %dma_wait3A_1054] : memref<8x32x128xf32, #tpu.memory_space<vmem>> -> memref<1x32x128xf32, #tpu.memory_space<vmem>>
        %dma_wait3A_1056 = tpu.memref_squeeze %dma_wait3A_1055 : memref<1x32x128xf32, #tpu.memory_space<vmem>> -> memref<32x128xf32, #tpu.memory_space<vmem>>
        %dma_wait3A_1057 = arith.constant 0 : i32
        %dma_wait3A_1058 = arith.constant 0 : i32
        %dma_wait3A_1059 = tpu.memref_slice %arg3[%dma_wait3A_1057, %dma_wait3A_1058] : memref<32x1000000xf32, #tpu.memory_space<hbm>> -> memref<32x128xf32, #tpu.memory_space<hbm>>
        tpu.wait_dma2 semaphore(%arg10 : memref<!tpu.dma_semaphore, #tpu.memory_space<semaphore_mem>>) src(%dma_wait3A_1059 : memref<32x128xf32, #tpu.memory_space<hbm>>) dst(%dma_wait3A_1056 : memref<32x128xf32, #tpu.memory_space<vmem>>)
        %dma_wait3A_1060 = arith.constant 6 : i32
        %dma_wait3A_1061 = arith.constant 0 : i32
        %dma_wait3A_1062 = arith.constant 0 : i32
        %dma_wait3A_1063 = tpu.memref_slice %arg7[%dma_wait3A_1060, %dma_wait3A_1061, %dma_wait3A_1062] : memref<8x32x128xf32, #tpu.memory_space<vmem>> -> memref<1x32x128xf32, #tpu.memory_space<vmem>>
        %dma_wait3A_1064 = tpu.memref_squeeze %dma_wait3A_1063 : memref<1x32x128xf32, #tpu.memory_space<vmem>> -> memref<32x128xf32, #tpu.memory_space<vmem>>
        %dma_wait3A_1065 = arith.constant 0 : i32
        %dma_wait3A_1066 = arith.constant 0 : i32
        %dma_wait3A_1067 = tpu.memref_slice %arg3[%dma_wait3A_1065, %dma_wait3A_1066] : memref<32x1000000xf32, #tpu.memory_space<hbm>> -> memref<32x128xf32, #tpu.memory_space<hbm>>
        %dma_wait3A_1068 = arith.constant 0 : i32
        %dma_wait3A_1069 = arith.constant 0 : i32
        %dma_wait3A_1070 = tpu.memref_slice %arg7[%dma_wait3A_1060, %dma_wait3A_1068, %dma_wait3A_1069] : memref<8x32x128xf32, #tpu.memory_space<vmem>> -> memref<1x32x128xf32, #tpu.memory_space<vmem>>
        %dma_wait3A_1071 = tpu.memref_squeeze %dma_wait3A_1070 : memref<1x32x128xf32, #tpu.memory_space<vmem>> -> memref<32x128xf32, #tpu.memory_space<vmem>>
        %dma_wait3A_1072 = arith.constant 0 : i32
        %dma_wait3A_1073 = arith.constant 0 : i32
        %dma_wait3A_1074 = tpu.memref_slice %arg3[%dma_wait3A_1072, %dma_wait3A_1073] : memref<32x1000000xf32, #tpu.memory_space<hbm>> -> memref<32x128xf32, #tpu.memory_space<hbm>>
        tpu.wait_dma2 semaphore(%arg10 : memref<!tpu.dma_semaphore, #tpu.memory_space<semaphore_mem>>) src(%dma_wait3A_1074 : memref<32x128xf32, #tpu.memory_space<hbm>>) dst(%dma_wait3A_1071 : memref<32x128xf32, #tpu.memory_space<vmem>>)
        %dma_wait3A_1075 = arith.constant 7 : i32
        %dma_wait3A_1076 = arith.constant 0 : i32
        %dma_wait3A_1077 = arith.constant 0 : i32
        %dma_wait3A_1078 = tpu.memref_slice %arg7[%dma_wait3A_1075, %dma_wait3A_1076, %dma_wait3A_1077] : memref<8x32x128xf32, #tpu.memory_space<vmem>> -> memref<1x32x128xf32, #tpu.memory_space<vmem>>
        %dma_wait3A_1079 = tpu.memref_squeeze %dma_wait3A_1078 : memref<1x32x128xf32, #tpu.memory_space<vmem>> -> memref<32x128xf32, #tpu.memory_space<vmem>>
        %dma_wait3A_1080 = arith.constant 0 : i32
        %dma_wait3A_1081 = arith.constant 0 : i32
        %dma_wait3A_1082 = tpu.memref_slice %arg3[%dma_wait3A_1080, %dma_wait3A_1081] : memref<32x1000000xf32, #tpu.memory_space<hbm>> -> memref<32x128xf32, #tpu.memory_space<hbm>>
        %dma_wait3A_1083 = arith.constant 0 : i32
        %dma_wait3A_1084 = arith.constant 0 : i32
        %dma_wait3A_1085 = tpu.memref_slice %arg7[%dma_wait3A_1075, %dma_wait3A_1083, %dma_wait3A_1084] : memref<8x32x128xf32, #tpu.memory_space<vmem>> -> memref<1x32x128xf32, #tpu.memory_space<vmem>>
        %dma_wait3A_1086 = tpu.memref_squeeze %dma_wait3A_1085 : memref<1x32x128xf32, #tpu.memory_space<vmem>> -> memref<32x128xf32, #tpu.memory_space<vmem>>
        %dma_wait3A_1087 = arith.constant 0 : i32
        %dma_wait3A_1088 = arith.constant 0 : i32
        %dma_wait3A_1089 = tpu.memref_slice %arg3[%dma_wait3A_1087, %dma_wait3A_1088] : memref<32x1000000xf32, #tpu.memory_space<hbm>> -> memref<32x128xf32, #tpu.memory_space<hbm>>
        tpu.wait_dma2 semaphore(%arg10 : memref<!tpu.dma_semaphore, #tpu.memory_space<semaphore_mem>>) src(%dma_wait3A_1089 : memref<32x128xf32, #tpu.memory_space<hbm>>) dst(%dma_wait3A_1086 : memref<32x128xf32, #tpu.memory_space<vmem>>)
        %sub3A = arith.constant 8 : i32
        %sub3A_1090 = arith.subi %mul3A_320, %sub3A : i32
        %add3A_1091 = arith.constant 0 : i32
        %add3A_1092 = arith.addi %sub3A_1090, %add3A_1091 : i32
        %broadcast_in_dim3A_1093 = vector.broadcast %add3A_1092 : i32 to vector<16xi32>
        %gather3A_1094 = tpu.vector_load_idx %arg5[%broadcast_in_dim3A_1093] : memref<528xi32, #tpu.memory_space<vmem>>[vector<16xi32>], vector<16xi32>,
        %and3A_1095 = arith.constant 127 : i32
        %and3A_1096 = vector.broadcast %and3A_1095 : i32 to vector<16xi32>
        %and3A_1097 = arith.andi %gather3A_1094, %and3A_1096 : vector<16xi32>
        %add3A_1098 = arith.constant 0 : i32
        %add3A_1099 = arith.addi %sub3A_1090, %add3A_1098 : i32
        %broadcast_in_dim3A_1100 = vector.broadcast %add3A_1099 : i32 to vector<16xi32>
        %broadcast_in_dim3A_1101 = arith.constant 0 : i32
        %broadcast_in_dim3A_1102 = vector.broadcast %broadcast_in_dim3A_1101 : i32 to vector<16xi32>
        %add3A_1103 = arith.constant 0 : i32
        %add3A_1104 = vector.broadcast %add3A_1103 : i32 to vector<16xi32>
        %add3A_1105 = arith.addi %iota3A, %add3A_1104 : vector<16xi32>
        %gather3A_1106 = tpu.vector_load_idx %arg7[%broadcast_in_dim3A_1102, %add3A_1105, %and3A_1097] : memref<8x32x128xf32, #tpu.memory_space<vmem>>[vector<16xi32>, vector<16xi32>, vector<16xi32>], vector<16xf32>,
        %add3A_1107 = arith.constant 0 : i32
        %add3A_1108 = vector.broadcast %add3A_1107 : i32 to vector<16xi32>
        %add3A_1109 = arith.addi %iota3A, %add3A_1108 : vector<16xi32>
        tpu.vector_store_idx %arg8[%add3A_1109, %broadcast_in_dim3A_1100], %gather3A_1106 : memref<32x512xf32, #tpu.memory_space<vmem>>[vector<16xi32>, vector<16xi32>], vector<16xf32>,
        %add3A_1110 = arith.constant 16 : i32
        %add3A_1111 = vector.broadcast %add3A_1110 : i32 to vector<16xi32>
        %add3A_1112 = arith.addi %iota3A, %add3A_1111 : vector<16xi32>
        %gather3A_1113 = tpu.vector_load_idx %arg7[%broadcast_in_dim3A_1102, %add3A_1112, %and3A_1097] : memref<8x32x128xf32, #tpu.memory_space<vmem>>[vector<16xi32>, vector<16xi32>, vector<16xi32>], vector<16xf32>,
        %add3A_1114 = arith.constant 16 : i32
        %add3A_1115 = vector.broadcast %add3A_1114 : i32 to vector<16xi32>
        %add3A_1116 = arith.addi %iota3A, %add3A_1115 : vector<16xi32>
        tpu.vector_store_idx %arg8[%add3A_1116, %broadcast_in_dim3A_1100], %gather3A_1113 : memref<32x512xf32, #tpu.memory_space<vmem>>[vector<16xi32>, vector<16xi32>], vector<16xf32>,
        %add3A_1117 = arith.constant 1 : i32
        %add3A_1118 = arith.addi %sub3A_1090, %add3A_1117 : i32
        %broadcast_in_dim3A_1119 = vector.broadcast %add3A_1118 : i32 to vector<16xi32>
        %gather3A_1120 = tpu.vector_load_idx %arg5[%broadcast_in_dim3A_1119] : memref<528xi32, #tpu.memory_space<vmem>>[vector<16xi32>], vector<16xi32>,
        %and3A_1121 = arith.constant 127 : i32
        %and3A_1122 = vector.broadcast %and3A_1121 : i32 to vector<16xi32>
        %and3A_1123 = arith.andi %gather3A_1120, %and3A_1122 : vector<16xi32>
        %add3A_1124 = arith.constant 1 : i32
        %add3A_1125 = arith.addi %sub3A_1090, %add3A_1124 : i32
        %broadcast_in_dim3A_1126 = vector.broadcast %add3A_1125 : i32 to vector<16xi32>
        %broadcast_in_dim3A_1127 = arith.constant 1 : i32
        %broadcast_in_dim3A_1128 = vector.broadcast %broadcast_in_dim3A_1127 : i32 to vector<16xi32>
        %add3A_1129 = arith.constant 0 : i32
        %add3A_1130 = vector.broadcast %add3A_1129 : i32 to vector<16xi32>
        %add3A_1131 = arith.addi %iota3A, %add3A_1130 : vector<16xi32>
        %gather3A_1132 = tpu.vector_load_idx %arg7[%broadcast_in_dim3A_1128, %add3A_1131, %and3A_1123] : memref<8x32x128xf32, #tpu.memory_space<vmem>>[vector<16xi32>, vector<16xi32>, vector<16xi32>], vector<16xf32>,
        %add3A_1133 = arith.constant 0 : i32
        %add3A_1134 = vector.broadcast %add3A_1133 : i32 to vector<16xi32>
        %add3A_1135 = arith.addi %iota3A, %add3A_1134 : vector<16xi32>
        tpu.vector_store_idx %arg8[%add3A_1135, %broadcast_in_dim3A_1126], %gather3A_1132 : memref<32x512xf32, #tpu.memory_space<vmem>>[vector<16xi32>, vector<16xi32>], vector<16xf32>,
        %add3A_1136 = arith.constant 16 : i32
        %add3A_1137 = vector.broadcast %add3A_1136 : i32 to vector<16xi32>
        %add3A_1138 = arith.addi %iota3A, %add3A_1137 : vector<16xi32>
        %gather3A_1139 = tpu.vector_load_idx %arg7[%broadcast_in_dim3A_1128, %add3A_1138, %and3A_1123] : memref<8x32x128xf32, #tpu.memory_space<vmem>>[vector<16xi32>, vector<16xi32>, vector<16xi32>], vector<16xf32>,
        %add3A_1140 = arith.constant 16 : i32
        %add3A_1141 = vector.broadcast %add3A_1140 : i32 to vector<16xi32>
        %add3A_1142 = arith.addi %iota3A, %add3A_1141 : vector<16xi32>
        tpu.vector_store_idx %arg8[%add3A_1142, %broadcast_in_dim3A_1126], %gather3A_1139 : memref<32x512xf32, #tpu.memory_space<vmem>>[vector<16xi32>, vector<16xi32>], vector<16xf32>,
        %add3A_1143 = arith.constant 2 : i32
        %add3A_1144 = arith.addi %sub3A_1090, %add3A_1143 : i32
        %broadcast_in_dim3A_1145 = vector.broadcast %add3A_1144 : i32 to vector<16xi32>
        %gather3A_1146 = tpu.vector_load_idx %arg5[%broadcast_in_dim3A_1145] : memref<528xi32, #tpu.memory_space<vmem>>[vector<16xi32>], vector<16xi32>,
        %and3A_1147 = arith.constant 127 : i32
        %and3A_1148 = vector.broadcast %and3A_1147 : i32 to vector<16xi32>
        %and3A_1149 = arith.andi %gather3A_1146, %and3A_1148 : vector<16xi32>
        %add3A_1150 = arith.constant 2 : i32
        %add3A_1151 = arith.addi %sub3A_1090, %add3A_1150 : i32
        %broadcast_in_dim3A_1152 = vector.broadcast %add3A_1151 : i32 to vector<16xi32>
        %broadcast_in_dim3A_1153 = arith.constant 2 : i32
        %broadcast_in_dim3A_1154 = vector.broadcast %broadcast_in_dim3A_1153 : i32 to vector<16xi32>
        %add3A_1155 = arith.constant 0 : i32
        %add3A_1156 = vector.broadcast %add3A_1155 : i32 to vector<16xi32>
        %add3A_1157 = arith.addi %iota3A, %add3A_1156 : vector<16xi32>
        %gather3A_1158 = tpu.vector_load_idx %arg7[%broadcast_in_dim3A_1154, %add3A_1157, %and3A_1149] : memref<8x32x128xf32, #tpu.memory_space<vmem>>[vector<16xi32>, vector<16xi32>, vector<16xi32>], vector<16xf32>,
        %add3A_1159 = arith.constant 0 : i32
        %add3A_1160 = vector.broadcast %add3A_1159 : i32 to vector<16xi32>
        %add3A_1161 = arith.addi %iota3A, %add3A_1160 : vector<16xi32>
        tpu.vector_store_idx %arg8[%add3A_1161, %broadcast_in_dim3A_1152], %gather3A_1158 : memref<32x512xf32, #tpu.memory_space<vmem>>[vector<16xi32>, vector<16xi32>], vector<16xf32>,
        %add3A_1162 = arith.constant 16 : i32
        %add3A_1163 = vector.broadcast %add3A_1162 : i32 to vector<16xi32>
        %add3A_1164 = arith.addi %iota3A, %add3A_1163 : vector<16xi32>
        %gather3A_1165 = tpu.vector_load_idx %arg7[%broadcast_in_dim3A_1154, %add3A_1164, %and3A_1149] : memref<8x32x128xf32, #tpu.memory_space<vmem>>[vector<16xi32>, vector<16xi32>, vector<16xi32>], vector<16xf32>,
        %add3A_1166 = arith.constant 16 : i32
        %add3A_1167 = vector.broadcast %add3A_1166 : i32 to vector<16xi32>
        %add3A_1168 = arith.addi %iota3A, %add3A_1167 : vector<16xi32>
        tpu.vector_store_idx %arg8[%add3A_1168, %broadcast_in_dim3A_1152], %gather3A_1165 : memref<32x512xf32, #tpu.memory_space<vmem>>[vector<16xi32>, vector<16xi32>], vector<16xf32>,
        %add3A_1169 = arith.constant 3 : i32
        %add3A_1170 = arith.addi %sub3A_1090, %add3A_1169 : i32
        %broadcast_in_dim3A_1171 = vector.broadcast %add3A_1170 : i32 to vector<16xi32>
        %gather3A_1172 = tpu.vector_load_idx %arg5[%broadcast_in_dim3A_1171] : memref<528xi32, #tpu.memory_space<vmem>>[vector<16xi32>], vector<16xi32>,
        %and3A_1173 = arith.constant 127 : i32
        %and3A_1174 = vector.broadcast %and3A_1173 : i32 to vector<16xi32>
        %and3A_1175 = arith.andi %gather3A_1172, %and3A_1174 : vector<16xi32>
        %add3A_1176 = arith.constant 3 : i32
        %add3A_1177 = arith.addi %sub3A_1090, %add3A_1176 : i32
        %broadcast_in_dim3A_1178 = vector.broadcast %add3A_1177 : i32 to vector<16xi32>
        %broadcast_in_dim3A_1179 = arith.constant 3 : i32
        %broadcast_in_dim3A_1180 = vector.broadcast %broadcast_in_dim3A_1179 : i32 to vector<16xi32>
        %add3A_1181 = arith.constant 0 : i32
        %add3A_1182 = vector.broadcast %add3A_1181 : i32 to vector<16xi32>
        %add3A_1183 = arith.addi %iota3A, %add3A_1182 : vector<16xi32>
        %gather3A_1184 = tpu.vector_load_idx %arg7[%broadcast_in_dim3A_1180, %add3A_1183, %and3A_1175] : memref<8x32x128xf32, #tpu.memory_space<vmem>>[vector<16xi32>, vector<16xi32>, vector<16xi32>], vector<16xf32>,
        %add3A_1185 = arith.constant 0 : i32
        %add3A_1186 = vector.broadcast %add3A_1185 : i32 to vector<16xi32>
        %add3A_1187 = arith.addi %iota3A, %add3A_1186 : vector<16xi32>
        tpu.vector_store_idx %arg8[%add3A_1187, %broadcast_in_dim3A_1178], %gather3A_1184 : memref<32x512xf32, #tpu.memory_space<vmem>>[vector<16xi32>, vector<16xi32>], vector<16xf32>,
        %add3A_1188 = arith.constant 16 : i32
        %add3A_1189 = vector.broadcast %add3A_1188 : i32 to vector<16xi32>
        %add3A_1190 = arith.addi %iota3A, %add3A_1189 : vector<16xi32>
        %gather3A_1191 = tpu.vector_load_idx %arg7[%broadcast_in_dim3A_1180, %add3A_1190, %and3A_1175] : memref<8x32x128xf32, #tpu.memory_space<vmem>>[vector<16xi32>, vector<16xi32>, vector<16xi32>], vector<16xf32>,
        %add3A_1192 = arith.constant 16 : i32
        %add3A_1193 = vector.broadcast %add3A_1192 : i32 to vector<16xi32>
        %add3A_1194 = arith.addi %iota3A, %add3A_1193 : vector<16xi32>
        tpu.vector_store_idx %arg8[%add3A_1194, %broadcast_in_dim3A_1178], %gather3A_1191 : memref<32x512xf32, #tpu.memory_space<vmem>>[vector<16xi32>, vector<16xi32>], vector<16xf32>,
        %add3A_1195 = arith.constant 4 : i32
        %add3A_1196 = arith.addi %sub3A_1090, %add3A_1195 : i32
        %broadcast_in_dim3A_1197 = vector.broadcast %add3A_1196 : i32 to vector<16xi32>
        %gather3A_1198 = tpu.vector_load_idx %arg5[%broadcast_in_dim3A_1197] : memref<528xi32, #tpu.memory_space<vmem>>[vector<16xi32>], vector<16xi32>,
        %and3A_1199 = arith.constant 127 : i32
        %and3A_1200 = vector.broadcast %and3A_1199 : i32 to vector<16xi32>
        %and3A_1201 = arith.andi %gather3A_1198, %and3A_1200 : vector<16xi32>
        %add3A_1202 = arith.constant 4 : i32
        %add3A_1203 = arith.addi %sub3A_1090, %add3A_1202 : i32
        %broadcast_in_dim3A_1204 = vector.broadcast %add3A_1203 : i32 to vector<16xi32>
        %broadcast_in_dim3A_1205 = arith.constant 4 : i32
        %broadcast_in_dim3A_1206 = vector.broadcast %broadcast_in_dim3A_1205 : i32 to vector<16xi32>
        %add3A_1207 = arith.constant 0 : i32
        %add3A_1208 = vector.broadcast %add3A_1207 : i32 to vector<16xi32>
        %add3A_1209 = arith.addi %iota3A, %add3A_1208 : vector<16xi32>
        %gather3A_1210 = tpu.vector_load_idx %arg7[%broadcast_in_dim3A_1206, %add3A_1209, %and3A_1201] : memref<8x32x128xf32, #tpu.memory_space<vmem>>[vector<16xi32>, vector<16xi32>, vector<16xi32>], vector<16xf32>,
        %add3A_1211 = arith.constant 0 : i32
        %add3A_1212 = vector.broadcast %add3A_1211 : i32 to vector<16xi32>
        %add3A_1213 = arith.addi %iota3A, %add3A_1212 : vector<16xi32>
        tpu.vector_store_idx %arg8[%add3A_1213, %broadcast_in_dim3A_1204], %gather3A_1210 : memref<32x512xf32, #tpu.memory_space<vmem>>[vector<16xi32>, vector<16xi32>], vector<16xf32>,
        %add3A_1214 = arith.constant 16 : i32
        %add3A_1215 = vector.broadcast %add3A_1214 : i32 to vector<16xi32>
        %add3A_1216 = arith.addi %iota3A, %add3A_1215 : vector<16xi32>
        %gather3A_1217 = tpu.vector_load_idx %arg7[%broadcast_in_dim3A_1206, %add3A_1216, %and3A_1201] : memref<8x32x128xf32, #tpu.memory_space<vmem>>[vector<16xi32>, vector<16xi32>, vector<16xi32>], vector<16xf32>,
        %add3A_1218 = arith.constant 16 : i32
        %add3A_1219 = vector.broadcast %add3A_1218 : i32 to vector<16xi32>
        %add3A_1220 = arith.addi %iota3A, %add3A_1219 : vector<16xi32>
        tpu.vector_store_idx %arg8[%add3A_1220, %broadcast_in_dim3A_1204], %gather3A_1217 : memref<32x512xf32, #tpu.memory_space<vmem>>[vector<16xi32>, vector<16xi32>], vector<16xf32>,
        %add3A_1221 = arith.constant 5 : i32
        %add3A_1222 = arith.addi %sub3A_1090, %add3A_1221 : i32
        %broadcast_in_dim3A_1223 = vector.broadcast %add3A_1222 : i32 to vector<16xi32>
        %gather3A_1224 = tpu.vector_load_idx %arg5[%broadcast_in_dim3A_1223] : memref<528xi32, #tpu.memory_space<vmem>>[vector<16xi32>], vector<16xi32>,
        %and3A_1225 = arith.constant 127 : i32
        %and3A_1226 = vector.broadcast %and3A_1225 : i32 to vector<16xi32>
        %and3A_1227 = arith.andi %gather3A_1224, %and3A_1226 : vector<16xi32>
        %add3A_1228 = arith.constant 5 : i32
        %add3A_1229 = arith.addi %sub3A_1090, %add3A_1228 : i32
        %broadcast_in_dim3A_1230 = vector.broadcast %add3A_1229 : i32 to vector<16xi32>
        %broadcast_in_dim3A_1231 = arith.constant 5 : i32
        %broadcast_in_dim3A_1232 = vector.broadcast %broadcast_in_dim3A_1231 : i32 to vector<16xi32>
        %add3A_1233 = arith.constant 0 : i32
        %add3A_1234 = vector.broadcast %add3A_1233 : i32 to vector<16xi32>
        %add3A_1235 = arith.addi %iota3A, %add3A_1234 : vector<16xi32>
        %gather3A_1236 = tpu.vector_load_idx %arg7[%broadcast_in_dim3A_1232, %add3A_1235, %and3A_1227] : memref<8x32x128xf32, #tpu.memory_space<vmem>>[vector<16xi32>, vector<16xi32>, vector<16xi32>], vector<16xf32>,
        %add3A_1237 = arith.constant 0 : i32
        %add3A_1238 = vector.broadcast %add3A_1237 : i32 to vector<16xi32>
        %add3A_1239 = arith.addi %iota3A, %add3A_1238 : vector<16xi32>
        tpu.vector_store_idx %arg8[%add3A_1239, %broadcast_in_dim3A_1230], %gather3A_1236 : memref<32x512xf32, #tpu.memory_space<vmem>>[vector<16xi32>, vector<16xi32>], vector<16xf32>,
        %add3A_1240 = arith.constant 16 : i32
        %add3A_1241 = vector.broadcast %add3A_1240 : i32 to vector<16xi32>
        %add3A_1242 = arith.addi %iota3A, %add3A_1241 : vector<16xi32>
        %gather3A_1243 = tpu.vector_load_idx %arg7[%broadcast_in_dim3A_1232, %add3A_1242, %and3A_1227] : memref<8x32x128xf32, #tpu.memory_space<vmem>>[vector<16xi32>, vector<16xi32>, vector<16xi32>], vector<16xf32>,
        %add3A_1244 = arith.constant 16 : i32
        %add3A_1245 = vector.broadcast %add3A_1244 : i32 to vector<16xi32>
        %add3A_1246 = arith.addi %iota3A, %add3A_1245 : vector<16xi32>
        tpu.vector_store_idx %arg8[%add3A_1246, %broadcast_in_dim3A_1230], %gather3A_1243 : memref<32x512xf32, #tpu.memory_space<vmem>>[vector<16xi32>, vector<16xi32>], vector<16xf32>,
        %add3A_1247 = arith.constant 6 : i32
        %add3A_1248 = arith.addi %sub3A_1090, %add3A_1247 : i32
        %broadcast_in_dim3A_1249 = vector.broadcast %add3A_1248 : i32 to vector<16xi32>
        %gather3A_1250 = tpu.vector_load_idx %arg5[%broadcast_in_dim3A_1249] : memref<528xi32, #tpu.memory_space<vmem>>[vector<16xi32>], vector<16xi32>,
        %and3A_1251 = arith.constant 127 : i32
        %and3A_1252 = vector.broadcast %and3A_1251 : i32 to vector<16xi32>
        %and3A_1253 = arith.andi %gather3A_1250, %and3A_1252 : vector<16xi32>
        %add3A_1254 = arith.constant 6 : i32
        %add3A_1255 = arith.addi %sub3A_1090, %add3A_1254 : i32
        %broadcast_in_dim3A_1256 = vector.broadcast %add3A_1255 : i32 to vector<16xi32>
        %broadcast_in_dim3A_1257 = arith.constant 6 : i32
        %broadcast_in_dim3A_1258 = vector.broadcast %broadcast_in_dim3A_1257 : i32 to vector<16xi32>
        %add3A_1259 = arith.constant 0 : i32
        %add3A_1260 = vector.broadcast %add3A_1259 : i32 to vector<16xi32>
        %add3A_1261 = arith.addi %iota3A, %add3A_1260 : vector<16xi32>
        %gather3A_1262 = tpu.vector_load_idx %arg7[%broadcast_in_dim3A_1258, %add3A_1261, %and3A_1253] : memref<8x32x128xf32, #tpu.memory_space<vmem>>[vector<16xi32>, vector<16xi32>, vector<16xi32>], vector<16xf32>,
        %add3A_1263 = arith.constant 0 : i32
        %add3A_1264 = vector.broadcast %add3A_1263 : i32 to vector<16xi32>
        %add3A_1265 = arith.addi %iota3A, %add3A_1264 : vector<16xi32>
        tpu.vector_store_idx %arg8[%add3A_1265, %broadcast_in_dim3A_1256], %gather3A_1262 : memref<32x512xf32, #tpu.memory_space<vmem>>[vector<16xi32>, vector<16xi32>], vector<16xf32>,
        %add3A_1266 = arith.constant 16 : i32
        %add3A_1267 = vector.broadcast %add3A_1266 : i32 to vector<16xi32>
        %add3A_1268 = arith.addi %iota3A, %add3A_1267 : vector<16xi32>
        %gather3A_1269 = tpu.vector_load_idx %arg7[%broadcast_in_dim3A_1258, %add3A_1268, %and3A_1253] : memref<8x32x128xf32, #tpu.memory_space<vmem>>[vector<16xi32>, vector<16xi32>, vector<16xi32>], vector<16xf32>,
        %add3A_1270 = arith.constant 16 : i32
        %add3A_1271 = vector.broadcast %add3A_1270 : i32 to vector<16xi32>
        %add3A_1272 = arith.addi %iota3A, %add3A_1271 : vector<16xi32>
        tpu.vector_store_idx %arg8[%add3A_1272, %broadcast_in_dim3A_1256], %gather3A_1269 : memref<32x512xf32, #tpu.memory_space<vmem>>[vector<16xi32>, vector<16xi32>], vector<16xf32>,
        %add3A_1273 = arith.constant 7 : i32
        %add3A_1274 = arith.addi %sub3A_1090, %add3A_1273 : i32
        %broadcast_in_dim3A_1275 = vector.broadcast %add3A_1274 : i32 to vector<16xi32>
        %gather3A_1276 = tpu.vector_load_idx %arg5[%broadcast_in_dim3A_1275] : memref<528xi32, #tpu.memory_space<vmem>>[vector<16xi32>], vector<16xi32>,
        %and3A_1277 = arith.constant 127 : i32
        %and3A_1278 = vector.broadcast %and3A_1277 : i32 to vector<16xi32>
        %and3A_1279 = arith.andi %gather3A_1276, %and3A_1278 : vector<16xi32>
        %add3A_1280 = arith.constant 7 : i32
        %add3A_1281 = arith.addi %sub3A_1090, %add3A_1280 : i32
        %broadcast_in_dim3A_1282 = vector.broadcast %add3A_1281 : i32 to vector<16xi32>
        %broadcast_in_dim3A_1283 = arith.constant 7 : i32
        %broadcast_in_dim3A_1284 = vector.broadcast %broadcast_in_dim3A_1283 : i32 to vector<16xi32>
        %add3A_1285 = arith.constant 0 : i32
        %add3A_1286 = vector.broadcast %add3A_1285 : i32 to vector<16xi32>
        %add3A_1287 = arith.addi %iota3A, %add3A_1286 : vector<16xi32>
        %gather3A_1288 = tpu.vector_load_idx %arg7[%broadcast_in_dim3A_1284, %add3A_1287, %and3A_1279] : memref<8x32x128xf32, #tpu.memory_space<vmem>>[vector<16xi32>, vector<16xi32>, vector<16xi32>], vector<16xf32>,
        %add3A_1289 = arith.constant 0 : i32
        %add3A_1290 = vector.broadcast %add3A_1289 : i32 to vector<16xi32>
        %add3A_1291 = arith.addi %iota3A, %add3A_1290 : vector<16xi32>
        tpu.vector_store_idx %arg8[%add3A_1291, %broadcast_in_dim3A_1282], %gather3A_1288 : memref<32x512xf32, #tpu.memory_space<vmem>>[vector<16xi32>, vector<16xi32>], vector<16xf32>,
        %add3A_1292 = arith.constant 16 : i32
        %add3A_1293 = vector.broadcast %add3A_1292 : i32 to vector<16xi32>
        %add3A_1294 = arith.addi %iota3A, %add3A_1293 : vector<16xi32>
        %gather3A_1295 = tpu.vector_load_idx %arg7[%broadcast_in_dim3A_1284, %add3A_1294, %and3A_1279] : memref<8x32x128xf32, #tpu.memory_space<vmem>>[vector<16xi32>, vector<16xi32>, vector<16xi32>], vector<16xf32>,
        %add3A_1296 = arith.constant 16 : i32
        %add3A_1297 = vector.broadcast %add3A_1296 : i32 to vector<16xi32>
        %add3A_1298 = arith.addi %iota3A, %add3A_1297 : vector<16xi32>
        tpu.vector_store_idx %arg8[%add3A_1298, %broadcast_in_dim3A_1282], %gather3A_1295 : memref<32x512xf32, #tpu.memory_space<vmem>>[vector<16xi32>, vector<16xi32>], vector<16xf32>,
      } else {
      }
      %add3A_478 = arith.constant 8 : i32
      %add3A_479 = arith.addi %mul3A_320, %add3A_478 : i32
      %get3A_480 = arith.index_cast %add3A_479 : i32 to index
      %get3A_481 = tpu.vector_load %arg5[%get3A_480] {strides = array<i32>} : memref<528xi32, #tpu.memory_space<vmem>>, vector<16xi32>,
      %slice3A_482 = vector.extract_strided_slice %get3A_481 {offsets = [0], sizes = [1], strides = [1]} : vector<16xi32> to vector<1xi32>
      %squeeze3A_483 = vector.extract %slice3A_482[0] : i32 from vector<1xi32>
      %shift_right_logical3A_484 = arith.constant 7 : i32
      %shift_right_logical3A_485 = arith.shrui %squeeze3A_483, %shift_right_logical3A_484 : i32
      %shift_left3A_486 = arith.constant 7 : i32
      %shift_left3A_487 = arith.shli %shift_right_logical3A_485, %shift_left3A_486 : i32
      %multiple_of3A_488 = tpu.assume_multiple %shift_left3A_487, 128 : i32
      %dma_start3A_489 = arith.constant 0 : i32
      %dma_start3A_490 = arith.constant 0 : i32
      %dma_start3A_491 = arith.constant 0 : i32
      %dma_start3A_492 = tpu.memref_slice %arg7[%dma_start3A_489, %dma_start3A_490, %dma_start3A_491] : memref<8x32x128xf32, #tpu.memory_space<vmem>> -> memref<1x32x128xf32, #tpu.memory_space<vmem>>
      %dma_start3A_493 = tpu.memref_squeeze %dma_start3A_492 : memref<1x32x128xf32, #tpu.memory_space<vmem>> -> memref<32x128xf32, #tpu.memory_space<vmem>>
      %dma_start3A_494 = arith.constant 0 : i32
      %dma_start3A_495 = tpu.memref_slice %arg3[%dma_start3A_494, %multiple_of3A_488] : memref<32x1000000xf32, #tpu.memory_space<hbm>> -> memref<32x128xf32, #tpu.memory_space<hbm>>
      %dma_start3A_496 = arith.constant 0 : i32
      %dma_start3A_497 = arith.constant 0 : i32
      %dma_start3A_498 = tpu.memref_slice %arg7[%dma_start3A_489, %dma_start3A_496, %dma_start3A_497] : memref<8x32x128xf32, #tpu.memory_space<vmem>> -> memref<1x32x128xf32, #tpu.memory_space<vmem>>
      %dma_start3A_499 = tpu.memref_squeeze %dma_start3A_498 : memref<1x32x128xf32, #tpu.memory_space<vmem>> -> memref<32x128xf32, #tpu.memory_space<vmem>>
      %dma_start3A_500 = arith.constant 0 : i32
      %dma_start3A_501 = tpu.memref_slice %arg3[%dma_start3A_500, %multiple_of3A_488] : memref<32x1000000xf32, #tpu.memory_space<hbm>> -> memref<32x128xf32, #tpu.memory_space<hbm>>
      tpu.enqueue_dma source(%dma_start3A_501 : memref<32x128xf32, #tpu.memory_space<hbm>>) target(%dma_start3A_499 : memref<32x128xf32, #tpu.memory_space<vmem>>) target_semaphore(%arg10 : memref<!tpu.dma_semaphore, #tpu.memory_space<semaphore_mem>>)
      %slice3A_502 = vector.extract_strided_slice %get3A_481 {offsets = [1], sizes = [1], strides = [1]} : vector<16xi32> to vector<1xi32>
      %squeeze3A_503 = vector.extract %slice3A_502[0] : i32 from vector<1xi32>
      %shift_right_logical3A_504 = arith.constant 7 : i32
      %shift_right_logical3A_505 = arith.shrui %squeeze3A_503, %shift_right_logical3A_504 : i32
      %shift_left3A_506 = arith.constant 7 : i32
      %shift_left3A_507 = arith.shli %shift_right_logical3A_505, %shift_left3A_506 : i32
      %multiple_of3A_508 = tpu.assume_multiple %shift_left3A_507, 128 : i32
      %dma_start3A_509 = arith.constant 1 : i32
      %dma_start3A_510 = arith.constant 0 : i32
      %dma_start3A_511 = arith.constant 0 : i32
      %dma_start3A_512 = tpu.memref_slice %arg7[%dma_start3A_509, %dma_start3A_510, %dma_start3A_511] : memref<8x32x128xf32, #tpu.memory_space<vmem>> -> memref<1x32x128xf32, #tpu.memory_space<vmem>>
      %dma_start3A_513 = tpu.memref_squeeze %dma_start3A_512 : memref<1x32x128xf32, #tpu.memory_space<vmem>> -> memref<32x128xf32, #tpu.memory_space<vmem>>
      %dma_start3A_514 = arith.constant 0 : i32
      %dma_start3A_515 = tpu.memref_slice %arg3[%dma_start3A_514, %multiple_of3A_508] : memref<32x1000000xf32, #tpu.memory_space<hbm>> -> memref<32x128xf32, #tpu.memory_space<hbm>>
      %dma_start3A_516 = arith.constant 0 : i32
      %dma_start3A_517 = arith.constant 0 : i32
      %dma_start3A_518 = tpu.memref_slice %arg7[%dma_start3A_509, %dma_start3A_516, %dma_start3A_517] : memref<8x32x128xf32, #tpu.memory_space<vmem>> -> memref<1x32x128xf32, #tpu.memory_space<vmem>>
      %dma_start3A_519 = tpu.memref_squeeze %dma_start3A_518 : memref<1x32x128xf32, #tpu.memory_space<vmem>> -> memref<32x128xf32, #tpu.memory_space<vmem>>
      %dma_start3A_520 = arith.constant 0 : i32
      %dma_start3A_521 = tpu.memref_slice %arg3[%dma_start3A_520, %multiple_of3A_508] : memref<32x1000000xf32, #tpu.memory_space<hbm>> -> memref<32x128xf32, #tpu.memory_space<hbm>>
      tpu.enqueue_dma source(%dma_start3A_521 : memref<32x128xf32, #tpu.memory_space<hbm>>) target(%dma_start3A_519 : memref<32x128xf32, #tpu.memory_space<vmem>>) target_semaphore(%arg10 : memref<!tpu.dma_semaphore, #tpu.memory_space<semaphore_mem>>)
      %slice3A_522 = vector.extract_strided_slice %get3A_481 {offsets = [2], sizes = [1], strides = [1]} : vector<16xi32> to vector<1xi32>
      %squeeze3A_523 = vector.extract %slice3A_522[0] : i32 from vector<1xi32>
      %shift_right_logical3A_524 = arith.constant 7 : i32
      %shift_right_logical3A_525 = arith.shrui %squeeze3A_523, %shift_right_logical3A_524 : i32
      %shift_left3A_526 = arith.constant 7 : i32
      %shift_left3A_527 = arith.shli %shift_right_logical3A_525, %shift_left3A_526 : i32
      %multiple_of3A_528 = tpu.assume_multiple %shift_left3A_527, 128 : i32
      %dma_start3A_529 = arith.constant 2 : i32
      %dma_start3A_530 = arith.constant 0 : i32
      %dma_start3A_531 = arith.constant 0 : i32
      %dma_start3A_532 = tpu.memref_slice %arg7[%dma_start3A_529, %dma_start3A_530, %dma_start3A_531] : memref<8x32x128xf32, #tpu.memory_space<vmem>> -> memref<1x32x128xf32, #tpu.memory_space<vmem>>
      %dma_start3A_533 = tpu.memref_squeeze %dma_start3A_532 : memref<1x32x128xf32, #tpu.memory_space<vmem>> -> memref<32x128xf32, #tpu.memory_space<vmem>>
      %dma_start3A_534 = arith.constant 0 : i32
      %dma_start3A_535 = tpu.memref_slice %arg3[%dma_start3A_534, %multiple_of3A_528] : memref<32x1000000xf32, #tpu.memory_space<hbm>> -> memref<32x128xf32, #tpu.memory_space<hbm>>
      %dma_start3A_536 = arith.constant 0 : i32
      %dma_start3A_537 = arith.constant 0 : i32
      %dma_start3A_538 = tpu.memref_slice %arg7[%dma_start3A_529, %dma_start3A_536, %dma_start3A_537] : memref<8x32x128xf32, #tpu.memory_space<vmem>> -> memref<1x32x128xf32, #tpu.memory_space<vmem>>
      %dma_start3A_539 = tpu.memref_squeeze %dma_start3A_538 : memref<1x32x128xf32, #tpu.memory_space<vmem>> -> memref<32x128xf32, #tpu.memory_space<vmem>>
      %dma_start3A_540 = arith.constant 0 : i32
      %dma_start3A_541 = tpu.memref_slice %arg3[%dma_start3A_540, %multiple_of3A_528] : memref<32x1000000xf32, #tpu.memory_space<hbm>> -> memref<32x128xf32, #tpu.memory_space<hbm>>
      tpu.enqueue_dma source(%dma_start3A_541 : memref<32x128xf32, #tpu.memory_space<hbm>>) target(%dma_start3A_539 : memref<32x128xf32, #tpu.memory_space<vmem>>) target_semaphore(%arg10 : memref<!tpu.dma_semaphore, #tpu.memory_space<semaphore_mem>>)
      %slice3A_542 = vector.extract_strided_slice %get3A_481 {offsets = [3], sizes = [1], strides = [1]} : vector<16xi32> to vector<1xi32>
      %squeeze3A_543 = vector.extract %slice3A_542[0] : i32 from vector<1xi32>
      %shift_right_logical3A_544 = arith.constant 7 : i32
      %shift_right_logical3A_545 = arith.shrui %squeeze3A_543, %shift_right_logical3A_544 : i32
      %shift_left3A_546 = arith.constant 7 : i32
      %shift_left3A_547 = arith.shli %shift_right_logical3A_545, %shift_left3A_546 : i32
      %multiple_of3A_548 = tpu.assume_multiple %shift_left3A_547, 128 : i32
      %dma_start3A_549 = arith.constant 3 : i32
      %dma_start3A_550 = arith.constant 0 : i32
      %dma_start3A_551 = arith.constant 0 : i32
      %dma_start3A_552 = tpu.memref_slice %arg7[%dma_start3A_549, %dma_start3A_550, %dma_start3A_551] : memref<8x32x128xf32, #tpu.memory_space<vmem>> -> memref<1x32x128xf32, #tpu.memory_space<vmem>>
      %dma_start3A_553 = tpu.memref_squeeze %dma_start3A_552 : memref<1x32x128xf32, #tpu.memory_space<vmem>> -> memref<32x128xf32, #tpu.memory_space<vmem>>
      %dma_start3A_554 = arith.constant 0 : i32
      %dma_start3A_555 = tpu.memref_slice %arg3[%dma_start3A_554, %multiple_of3A_548] : memref<32x1000000xf32, #tpu.memory_space<hbm>> -> memref<32x128xf32, #tpu.memory_space<hbm>>
      %dma_start3A_556 = arith.constant 0 : i32
      %dma_start3A_557 = arith.constant 0 : i32
      %dma_start3A_558 = tpu.memref_slice %arg7[%dma_start3A_549, %dma_start3A_556, %dma_start3A_557] : memref<8x32x128xf32, #tpu.memory_space<vmem>> -> memref<1x32x128xf32, #tpu.memory_space<vmem>>
      %dma_start3A_559 = tpu.memref_squeeze %dma_start3A_558 : memref<1x32x128xf32, #tpu.memory_space<vmem>> -> memref<32x128xf32, #tpu.memory_space<vmem>>
      %dma_start3A_560 = arith.constant 0 : i32
      %dma_start3A_561 = tpu.memref_slice %arg3[%dma_start3A_560, %multiple_of3A_548] : memref<32x1000000xf32, #tpu.memory_space<hbm>> -> memref<32x128xf32, #tpu.memory_space<hbm>>
      tpu.enqueue_dma source(%dma_start3A_561 : memref<32x128xf32, #tpu.memory_space<hbm>>) target(%dma_start3A_559 : memref<32x128xf32, #tpu.memory_space<vmem>>) target_semaphore(%arg10 : memref<!tpu.dma_semaphore, #tpu.memory_space<semaphore_mem>>)
      %slice3A_562 = vector.extract_strided_slice %get3A_481 {offsets = [4], sizes = [1], strides = [1]} : vector<16xi32> to vector<1xi32>
      %squeeze3A_563 = vector.extract %slice3A_562[0] : i32 from vector<1xi32>
      %shift_right_logical3A_564 = arith.constant 7 : i32
      %shift_right_logical3A_565 = arith.shrui %squeeze3A_563, %shift_right_logical3A_564 : i32
      %shift_left3A_566 = arith.constant 7 : i32
      %shift_left3A_567 = arith.shli %shift_right_logical3A_565, %shift_left3A_566 : i32
      %multiple_of3A_568 = tpu.assume_multiple %shift_left3A_567, 128 : i32
      %dma_start3A_569 = arith.constant 4 : i32
      %dma_start3A_570 = arith.constant 0 : i32
      %dma_start3A_571 = arith.constant 0 : i32
      %dma_start3A_572 = tpu.memref_slice %arg7[%dma_start3A_569, %dma_start3A_570, %dma_start3A_571] : memref<8x32x128xf32, #tpu.memory_space<vmem>> -> memref<1x32x128xf32, #tpu.memory_space<vmem>>
      %dma_start3A_573 = tpu.memref_squeeze %dma_start3A_572 : memref<1x32x128xf32, #tpu.memory_space<vmem>> -> memref<32x128xf32, #tpu.memory_space<vmem>>
      %dma_start3A_574 = arith.constant 0 : i32
      %dma_start3A_575 = tpu.memref_slice %arg3[%dma_start3A_574, %multiple_of3A_568] : memref<32x1000000xf32, #tpu.memory_space<hbm>> -> memref<32x128xf32, #tpu.memory_space<hbm>>
      %dma_start3A_576 = arith.constant 0 : i32
      %dma_start3A_577 = arith.constant 0 : i32
      %dma_start3A_578 = tpu.memref_slice %arg7[%dma_start3A_569, %dma_start3A_576, %dma_start3A_577] : memref<8x32x128xf32, #tpu.memory_space<vmem>> -> memref<1x32x128xf32, #tpu.memory_space<vmem>>
      %dma_start3A_579 = tpu.memref_squeeze %dma_start3A_578 : memref<1x32x128xf32, #tpu.memory_space<vmem>> -> memref<32x128xf32, #tpu.memory_space<vmem>>
      %dma_start3A_580 = arith.constant 0 : i32
      %dma_start3A_581 = tpu.memref_slice %arg3[%dma_start3A_580, %multiple_of3A_568] : memref<32x1000000xf32, #tpu.memory_space<hbm>> -> memref<32x128xf32, #tpu.memory_space<hbm>>
      tpu.enqueue_dma source(%dma_start3A_581 : memref<32x128xf32, #tpu.memory_space<hbm>>) target(%dma_start3A_579 : memref<32x128xf32, #tpu.memory_space<vmem>>) target_semaphore(%arg10 : memref<!tpu.dma_semaphore, #tpu.memory_space<semaphore_mem>>)
      %slice3A_582 = vector.extract_strided_slice %get3A_481 {offsets = [5], sizes = [1], strides = [1]} : vector<16xi32> to vector<1xi32>
      %squeeze3A_583 = vector.extract %slice3A_582[0] : i32 from vector<1xi32>
      %shift_right_logical3A_584 = arith.constant 7 : i32
      %shift_right_logical3A_585 = arith.shrui %squeeze3A_583, %shift_right_logical3A_584 : i32
      %shift_left3A_586 = arith.constant 7 : i32
      %shift_left3A_587 = arith.shli %shift_right_logical3A_585, %shift_left3A_586 : i32
      %multiple_of3A_588 = tpu.assume_multiple %shift_left3A_587, 128 : i32
      %dma_start3A_589 = arith.constant 5 : i32
      %dma_start3A_590 = arith.constant 0 : i32
      %dma_start3A_591 = arith.constant 0 : i32
      %dma_start3A_592 = tpu.memref_slice %arg7[%dma_start3A_589, %dma_start3A_590, %dma_start3A_591] : memref<8x32x128xf32, #tpu.memory_space<vmem>> -> memref<1x32x128xf32, #tpu.memory_space<vmem>>
      %dma_start3A_593 = tpu.memref_squeeze %dma_start3A_592 : memref<1x32x128xf32, #tpu.memory_space<vmem>> -> memref<32x128xf32, #tpu.memory_space<vmem>>
      %dma_start3A_594 = arith.constant 0 : i32
      %dma_start3A_595 = tpu.memref_slice %arg3[%dma_start3A_594, %multiple_of3A_588] : memref<32x1000000xf32, #tpu.memory_space<hbm>> -> memref<32x128xf32, #tpu.memory_space<hbm>>
      %dma_start3A_596 = arith.constant 0 : i32
      %dma_start3A_597 = arith.constant 0 : i32
      %dma_start3A_598 = tpu.memref_slice %arg7[%dma_start3A_589, %dma_start3A_596, %dma_start3A_597] : memref<8x32x128xf32, #tpu.memory_space<vmem>> -> memref<1x32x128xf32, #tpu.memory_space<vmem>>
      %dma_start3A_599 = tpu.memref_squeeze %dma_start3A_598 : memref<1x32x128xf32, #tpu.memory_space<vmem>> -> memref<32x128xf32, #tpu.memory_space<vmem>>
      %dma_start3A_600 = arith.constant 0 : i32
      %dma_start3A_601 = tpu.memref_slice %arg3[%dma_start3A_600, %multiple_of3A_588] : memref<32x1000000xf32, #tpu.memory_space<hbm>> -> memref<32x128xf32, #tpu.memory_space<hbm>>
      tpu.enqueue_dma source(%dma_start3A_601 : memref<32x128xf32, #tpu.memory_space<hbm>>) target(%dma_start3A_599 : memref<32x128xf32, #tpu.memory_space<vmem>>) target_semaphore(%arg10 : memref<!tpu.dma_semaphore, #tpu.memory_space<semaphore_mem>>)
      %slice3A_602 = vector.extract_strided_slice %get3A_481 {offsets = [6], sizes = [1], strides = [1]} : vector<16xi32> to vector<1xi32>
      %squeeze3A_603 = vector.extract %slice3A_602[0] : i32 from vector<1xi32>
      %shift_right_logical3A_604 = arith.constant 7 : i32
      %shift_right_logical3A_605 = arith.shrui %squeeze3A_603, %shift_right_logical3A_604 : i32
      %shift_left3A_606 = arith.constant 7 : i32
      %shift_left3A_607 = arith.shli %shift_right_logical3A_605, %shift_left3A_606 : i32
      %multiple_of3A_608 = tpu.assume_multiple %shift_left3A_607, 128 : i32
      %dma_start3A_609 = arith.constant 6 : i32
      %dma_start3A_610 = arith.constant 0 : i32
      %dma_start3A_611 = arith.constant 0 : i32
      %dma_start3A_612 = tpu.memref_slice %arg7[%dma_start3A_609, %dma_start3A_610, %dma_start3A_611] : memref<8x32x128xf32, #tpu.memory_space<vmem>> -> memref<1x32x128xf32, #tpu.memory_space<vmem>>
      %dma_start3A_613 = tpu.memref_squeeze %dma_start3A_612 : memref<1x32x128xf32, #tpu.memory_space<vmem>> -> memref<32x128xf32, #tpu.memory_space<vmem>>
      %dma_start3A_614 = arith.constant 0 : i32
      %dma_start3A_615 = tpu.memref_slice %arg3[%dma_start3A_614, %multiple_of3A_608] : memref<32x1000000xf32, #tpu.memory_space<hbm>> -> memref<32x128xf32, #tpu.memory_space<hbm>>
      %dma_start3A_616 = arith.constant 0 : i32
      %dma_start3A_617 = arith.constant 0 : i32
      %dma_start3A_618 = tpu.memref_slice %arg7[%dma_start3A_609, %dma_start3A_616, %dma_start3A_617] : memref<8x32x128xf32, #tpu.memory_space<vmem>> -> memref<1x32x128xf32, #tpu.memory_space<vmem>>
      %dma_start3A_619 = tpu.memref_squeeze %dma_start3A_618 : memref<1x32x128xf32, #tpu.memory_space<vmem>> -> memref<32x128xf32, #tpu.memory_space<vmem>>
      %dma_start3A_620 = arith.constant 0 : i32
      %dma_start3A_621 = tpu.memref_slice %arg3[%dma_start3A_620, %multiple_of3A_608] : memref<32x1000000xf32, #tpu.memory_space<hbm>> -> memref<32x128xf32, #tpu.memory_space<hbm>>
      tpu.enqueue_dma source(%dma_start3A_621 : memref<32x128xf32, #tpu.memory_space<hbm>>) target(%dma_start3A_619 : memref<32x128xf32, #tpu.memory_space<vmem>>) target_semaphore(%arg10 : memref<!tpu.dma_semaphore, #tpu.memory_space<semaphore_mem>>)
      %slice3A_622 = vector.extract_strided_slice %get3A_481 {offsets = [7], sizes = [1], strides = [1]} : vector<16xi32> to vector<1xi32>
      %squeeze3A_623 = vector.extract %slice3A_622[0] : i32 from vector<1xi32>
      %shift_right_logical3A_624 = arith.constant 7 : i32
      %shift_right_logical3A_625 = arith.shrui %squeeze3A_623, %shift_right_logical3A_624 : i32
      %shift_left3A_626 = arith.constant 7 : i32
      %shift_left3A_627 = arith.shli %shift_right_logical3A_625, %shift_left3A_626 : i32
      %multiple_of3A_628 = tpu.assume_multiple %shift_left3A_627, 128 : i32
      %dma_start3A_629 = arith.constant 7 : i32
      %dma_start3A_630 = arith.constant 0 : i32
      %dma_start3A_631 = arith.constant 0 : i32
      %dma_start3A_632 = tpu.memref_slice %arg7[%dma_start3A_629, %dma_start3A_630, %dma_start3A_631] : memref<8x32x128xf32, #tpu.memory_space<vmem>> -> memref<1x32x128xf32, #tpu.memory_space<vmem>>
      %dma_start3A_633 = tpu.memref_squeeze %dma_start3A_632 : memref<1x32x128xf32, #tpu.memory_space<vmem>> -> memref<32x128xf32, #tpu.memory_space<vmem>>
      %dma_start3A_634 = arith.constant 0 : i32
      %dma_start3A_635 = tpu.memref_slice %arg3[%dma_start3A_634, %multiple_of3A_628] : memref<32x1000000xf32, #tpu.memory_space<hbm>> -> memref<32x128xf32, #tpu.memory_space<hbm>>
      %dma_start3A_636 = arith.constant 0 : i32
      %dma_start3A_637 = arith.constant 0 : i32
      %dma_start3A_638 = tpu.memref_slice %arg7[%dma_start3A_629, %dma_start3A_636, %dma_start3A_637] : memref<8x32x128xf32, #tpu.memory_space<vmem>> -> memref<1x32x128xf32, #tpu.memory_space<vmem>>
      %dma_start3A_639 = tpu.memref_squeeze %dma_start3A_638 : memref<1x32x128xf32, #tpu.memory_space<vmem>> -> memref<32x128xf32, #tpu.memory_space<vmem>>
      %dma_start3A_640 = arith.constant 0 : i32
      %dma_start3A_641 = tpu.memref_slice %arg3[%dma_start3A_640, %multiple_of3A_628] : memref<32x1000000xf32, #tpu.memory_space<hbm>> -> memref<32x128xf32, #tpu.memory_space<hbm>>
      tpu.enqueue_dma source(%dma_start3A_641 : memref<32x128xf32, #tpu.memory_space<hbm>>) target(%dma_start3A_639 : memref<32x128xf32, #tpu.memory_space<vmem>>) target_semaphore(%arg10 : memref<!tpu.dma_semaphore, #tpu.memory_space<semaphore_mem>>)
      %dma_wait3A_642 = arith.constant 0 : i32
      %dma_wait3A_643 = arith.constant 0 : i32
      %dma_wait3A_644 = arith.constant 0 : i32
      %dma_wait3A_645 = tpu.memref_slice %arg6[%dma_wait3A_642, %dma_wait3A_643, %dma_wait3A_644] : memref<8x32x128xf32, #tpu.memory_space<vmem>> -> memref<1x32x128xf32, #tpu.memory_space<vmem>>
      %dma_wait3A_646 = tpu.memref_squeeze %dma_wait3A_645 : memref<1x32x128xf32, #tpu.memory_space<vmem>> -> memref<32x128xf32, #tpu.memory_space<vmem>>
      %dma_wait3A_647 = arith.constant 0 : i32
      %dma_wait3A_648 = arith.constant 0 : i32
      %dma_wait3A_649 = tpu.memref_slice %arg3[%dma_wait3A_647, %dma_wait3A_648] : memref<32x1000000xf32, #tpu.memory_space<hbm>> -> memref<32x128xf32, #tpu.memory_space<hbm>>
      %dma_wait3A_650 = arith.constant 0 : i32
      %dma_wait3A_651 = arith.constant 0 : i32
      %dma_wait3A_652 = tpu.memref_slice %arg6[%dma_wait3A_642, %dma_wait3A_650, %dma_wait3A_651] : memref<8x32x128xf32, #tpu.memory_space<vmem>> -> memref<1x32x128xf32, #tpu.memory_space<vmem>>
      %dma_wait3A_653 = tpu.memref_squeeze %dma_wait3A_652 : memref<1x32x128xf32, #tpu.memory_space<vmem>> -> memref<32x128xf32, #tpu.memory_space<vmem>>
      %dma_wait3A_654 = arith.constant 0 : i32
      %dma_wait3A_655 = arith.constant 0 : i32
      %dma_wait3A_656 = tpu.memref_slice %arg3[%dma_wait3A_654, %dma_wait3A_655] : memref<32x1000000xf32, #tpu.memory_space<hbm>> -> memref<32x128xf32, #tpu.memory_space<hbm>>
      tpu.wait_dma2 semaphore(%arg9 : memref<!tpu.dma_semaphore, #tpu.memory_space<semaphore_mem>>) src(%dma_wait3A_656 : memref<32x128xf32, #tpu.memory_space<hbm>>) dst(%dma_wait3A_653 : memref<32x128xf32, #tpu.memory_space<vmem>>)
      %dma_wait3A_657 = arith.constant 1 : i32
      %dma_wait3A_658 = arith.constant 0 : i32
      %dma_wait3A_659 = arith.constant 0 : i32
      %dma_wait3A_660 = tpu.memref_slice %arg6[%dma_wait3A_657, %dma_wait3A_658, %dma_wait3A_659] : memref<8x32x128xf32, #tpu.memory_space<vmem>> -> memref<1x32x128xf32, #tpu.memory_space<vmem>>
      %dma_wait3A_661 = tpu.memref_squeeze %dma_wait3A_660 : memref<1x32x128xf32, #tpu.memory_space<vmem>> -> memref<32x128xf32, #tpu.memory_space<vmem>>
      %dma_wait3A_662 = arith.constant 0 : i32
      %dma_wait3A_663 = arith.constant 0 : i32
      %dma_wait3A_664 = tpu.memref_slice %arg3[%dma_wait3A_662, %dma_wait3A_663] : memref<32x1000000xf32, #tpu.memory_space<hbm>> -> memref<32x128xf32, #tpu.memory_space<hbm>>
      %dma_wait3A_665 = arith.constant 0 : i32
      %dma_wait3A_666 = arith.constant 0 : i32
      %dma_wait3A_667 = tpu.memref_slice %arg6[%dma_wait3A_657, %dma_wait3A_665, %dma_wait3A_666] : memref<8x32x128xf32, #tpu.memory_space<vmem>> -> memref<1x32x128xf32, #tpu.memory_space<vmem>>
      %dma_wait3A_668 = tpu.memref_squeeze %dma_wait3A_667 : memref<1x32x128xf32, #tpu.memory_space<vmem>> -> memref<32x128xf32, #tpu.memory_space<vmem>>
      %dma_wait3A_669 = arith.constant 0 : i32
      %dma_wait3A_670 = arith.constant 0 : i32
      %dma_wait3A_671 = tpu.memref_slice %arg3[%dma_wait3A_669, %dma_wait3A_670] : memref<32x1000000xf32, #tpu.memory_space<hbm>> -> memref<32x128xf32, #tpu.memory_space<hbm>>
      tpu.wait_dma2 semaphore(%arg9 : memref<!tpu.dma_semaphore, #tpu.memory_space<semaphore_mem>>) src(%dma_wait3A_671 : memref<32x128xf32, #tpu.memory_space<hbm>>) dst(%dma_wait3A_668 : memref<32x128xf32, #tpu.memory_space<vmem>>)
      %dma_wait3A_672 = arith.constant 2 : i32
      %dma_wait3A_673 = arith.constant 0 : i32
      %dma_wait3A_674 = arith.constant 0 : i32
      %dma_wait3A_675 = tpu.memref_slice %arg6[%dma_wait3A_672, %dma_wait3A_673, %dma_wait3A_674] : memref<8x32x128xf32, #tpu.memory_space<vmem>> -> memref<1x32x128xf32, #tpu.memory_space<vmem>>
      %dma_wait3A_676 = tpu.memref_squeeze %dma_wait3A_675 : memref<1x32x128xf32, #tpu.memory_space<vmem>> -> memref<32x128xf32, #tpu.memory_space<vmem>>
      %dma_wait3A_677 = arith.constant 0 : i32
      %dma_wait3A_678 = arith.constant 0 : i32
      %dma_wait3A_679 = tpu.memref_slice %arg3[%dma_wait3A_677, %dma_wait3A_678] : memref<32x1000000xf32, #tpu.memory_space<hbm>> -> memref<32x128xf32, #tpu.memory_space<hbm>>
      %dma_wait3A_680 = arith.constant 0 : i32
      %dma_wait3A_681 = arith.constant 0 : i32
      %dma_wait3A_682 = tpu.memref_slice %arg6[%dma_wait3A_672, %dma_wait3A_680, %dma_wait3A_681] : memref<8x32x128xf32, #tpu.memory_space<vmem>> -> memref<1x32x128xf32, #tpu.memory_space<vmem>>
      %dma_wait3A_683 = tpu.memref_squeeze %dma_wait3A_682 : memref<1x32x128xf32, #tpu.memory_space<vmem>> -> memref<32x128xf32, #tpu.memory_space<vmem>>
      %dma_wait3A_684 = arith.constant 0 : i32
      %dma_wait3A_685 = arith.constant 0 : i32
      %dma_wait3A_686 = tpu.memref_slice %arg3[%dma_wait3A_684, %dma_wait3A_685] : memref<32x1000000xf32, #tpu.memory_space<hbm>> -> memref<32x128xf32, #tpu.memory_space<hbm>>
      tpu.wait_dma2 semaphore(%arg9 : memref<!tpu.dma_semaphore, #tpu.memory_space<semaphore_mem>>) src(%dma_wait3A_686 : memref<32x128xf32, #tpu.memory_space<hbm>>) dst(%dma_wait3A_683 : memref<32x128xf32, #tpu.memory_space<vmem>>)
      %dma_wait3A_687 = arith.constant 3 : i32
      %dma_wait3A_688 = arith.constant 0 : i32
      %dma_wait3A_689 = arith.constant 0 : i32
      %dma_wait3A_690 = tpu.memref_slice %arg6[%dma_wait3A_687, %dma_wait3A_688, %dma_wait3A_689] : memref<8x32x128xf32, #tpu.memory_space<vmem>> -> memref<1x32x128xf32, #tpu.memory_space<vmem>>
      %dma_wait3A_691 = tpu.memref_squeeze %dma_wait3A_690 : memref<1x32x128xf32, #tpu.memory_space<vmem>> -> memref<32x128xf32, #tpu.memory_space<vmem>>
      %dma_wait3A_692 = arith.constant 0 : i32
      %dma_wait3A_693 = arith.constant 0 : i32
      %dma_wait3A_694 = tpu.memref_slice %arg3[%dma_wait3A_692, %dma_wait3A_693] : memref<32x1000000xf32, #tpu.memory_space<hbm>> -> memref<32x128xf32, #tpu.memory_space<hbm>>
      %dma_wait3A_695 = arith.constant 0 : i32
      %dma_wait3A_696 = arith.constant 0 : i32
      %dma_wait3A_697 = tpu.memref_slice %arg6[%dma_wait3A_687, %dma_wait3A_695, %dma_wait3A_696] : memref<8x32x128xf32, #tpu.memory_space<vmem>> -> memref<1x32x128xf32, #tpu.memory_space<vmem>>
      %dma_wait3A_698 = tpu.memref_squeeze %dma_wait3A_697 : memref<1x32x128xf32, #tpu.memory_space<vmem>> -> memref<32x128xf32, #tpu.memory_space<vmem>>
      %dma_wait3A_699 = arith.constant 0 : i32
      %dma_wait3A_700 = arith.constant 0 : i32
      %dma_wait3A_701 = tpu.memref_slice %arg3[%dma_wait3A_699, %dma_wait3A_700] : memref<32x1000000xf32, #tpu.memory_space<hbm>> -> memref<32x128xf32, #tpu.memory_space<hbm>>
      tpu.wait_dma2 semaphore(%arg9 : memref<!tpu.dma_semaphore, #tpu.memory_space<semaphore_mem>>) src(%dma_wait3A_701 : memref<32x128xf32, #tpu.memory_space<hbm>>) dst(%dma_wait3A_698 : memref<32x128xf32, #tpu.memory_space<vmem>>)
      %dma_wait3A_702 = arith.constant 4 : i32
      %dma_wait3A_703 = arith.constant 0 : i32
      %dma_wait3A_704 = arith.constant 0 : i32
      %dma_wait3A_705 = tpu.memref_slice %arg6[%dma_wait3A_702, %dma_wait3A_703, %dma_wait3A_704] : memref<8x32x128xf32, #tpu.memory_space<vmem>> -> memref<1x32x128xf32, #tpu.memory_space<vmem>>
      %dma_wait3A_706 = tpu.memref_squeeze %dma_wait3A_705 : memref<1x32x128xf32, #tpu.memory_space<vmem>> -> memref<32x128xf32, #tpu.memory_space<vmem>>
      %dma_wait3A_707 = arith.constant 0 : i32
      %dma_wait3A_708 = arith.constant 0 : i32
      %dma_wait3A_709 = tpu.memref_slice %arg3[%dma_wait3A_707, %dma_wait3A_708] : memref<32x1000000xf32, #tpu.memory_space<hbm>> -> memref<32x128xf32, #tpu.memory_space<hbm>>
      %dma_wait3A_710 = arith.constant 0 : i32
      %dma_wait3A_711 = arith.constant 0 : i32
      %dma_wait3A_712 = tpu.memref_slice %arg6[%dma_wait3A_702, %dma_wait3A_710, %dma_wait3A_711] : memref<8x32x128xf32, #tpu.memory_space<vmem>> -> memref<1x32x128xf32, #tpu.memory_space<vmem>>
      %dma_wait3A_713 = tpu.memref_squeeze %dma_wait3A_712 : memref<1x32x128xf32, #tpu.memory_space<vmem>> -> memref<32x128xf32, #tpu.memory_space<vmem>>
      %dma_wait3A_714 = arith.constant 0 : i32
      %dma_wait3A_715 = arith.constant 0 : i32
      %dma_wait3A_716 = tpu.memref_slice %arg3[%dma_wait3A_714, %dma_wait3A_715] : memref<32x1000000xf32, #tpu.memory_space<hbm>> -> memref<32x128xf32, #tpu.memory_space<hbm>>
      tpu.wait_dma2 semaphore(%arg9 : memref<!tpu.dma_semaphore, #tpu.memory_space<semaphore_mem>>) src(%dma_wait3A_716 : memref<32x128xf32, #tpu.memory_space<hbm>>) dst(%dma_wait3A_713 : memref<32x128xf32, #tpu.memory_space<vmem>>)
      %dma_wait3A_717 = arith.constant 5 : i32
      %dma_wait3A_718 = arith.constant 0 : i32
      %dma_wait3A_719 = arith.constant 0 : i32
      %dma_wait3A_720 = tpu.memref_slice %arg6[%dma_wait3A_717, %dma_wait3A_718, %dma_wait3A_719] : memref<8x32x128xf32, #tpu.memory_space<vmem>> -> memref<1x32x128xf32, #tpu.memory_space<vmem>>
      %dma_wait3A_721 = tpu.memref_squeeze %dma_wait3A_720 : memref<1x32x128xf32, #tpu.memory_space<vmem>> -> memref<32x128xf32, #tpu.memory_space<vmem>>
      %dma_wait3A_722 = arith.constant 0 : i32
      %dma_wait3A_723 = arith.constant 0 : i32
      %dma_wait3A_724 = tpu.memref_slice %arg3[%dma_wait3A_722, %dma_wait3A_723] : memref<32x1000000xf32, #tpu.memory_space<hbm>> -> memref<32x128xf32, #tpu.memory_space<hbm>>
      %dma_wait3A_725 = arith.constant 0 : i32
      %dma_wait3A_726 = arith.constant 0 : i32
      %dma_wait3A_727 = tpu.memref_slice %arg6[%dma_wait3A_717, %dma_wait3A_725, %dma_wait3A_726] : memref<8x32x128xf32, #tpu.memory_space<vmem>> -> memref<1x32x128xf32, #tpu.memory_space<vmem>>
      %dma_wait3A_728 = tpu.memref_squeeze %dma_wait3A_727 : memref<1x32x128xf32, #tpu.memory_space<vmem>> -> memref<32x128xf32, #tpu.memory_space<vmem>>
      %dma_wait3A_729 = arith.constant 0 : i32
      %dma_wait3A_730 = arith.constant 0 : i32
      %dma_wait3A_731 = tpu.memref_slice %arg3[%dma_wait3A_729, %dma_wait3A_730] : memref<32x1000000xf32, #tpu.memory_space<hbm>> -> memref<32x128xf32, #tpu.memory_space<hbm>>
      tpu.wait_dma2 semaphore(%arg9 : memref<!tpu.dma_semaphore, #tpu.memory_space<semaphore_mem>>) src(%dma_wait3A_731 : memref<32x128xf32, #tpu.memory_space<hbm>>) dst(%dma_wait3A_728 : memref<32x128xf32, #tpu.memory_space<vmem>>)
      %dma_wait3A_732 = arith.constant 6 : i32
      %dma_wait3A_733 = arith.constant 0 : i32
      %dma_wait3A_734 = arith.constant 0 : i32
      %dma_wait3A_735 = tpu.memref_slice %arg6[%dma_wait3A_732, %dma_wait3A_733, %dma_wait3A_734] : memref<8x32x128xf32, #tpu.memory_space<vmem>> -> memref<1x32x128xf32, #tpu.memory_space<vmem>>
      %dma_wait3A_736 = tpu.memref_squeeze %dma_wait3A_735 : memref<1x32x128xf32, #tpu.memory_space<vmem>> -> memref<32x128xf32, #tpu.memory_space<vmem>>
      %dma_wait3A_737 = arith.constant 0 : i32
      %dma_wait3A_738 = arith.constant 0 : i32
      %dma_wait3A_739 = tpu.memref_slice %arg3[%dma_wait3A_737, %dma_wait3A_738] : memref<32x1000000xf32, #tpu.memory_space<hbm>> -> memref<32x128xf32, #tpu.memory_space<hbm>>
      %dma_wait3A_740 = arith.constant 0 : i32
      %dma_wait3A_741 = arith.constant 0 : i32
      %dma_wait3A_742 = tpu.memref_slice %arg6[%dma_wait3A_732, %dma_wait3A_740, %dma_wait3A_741] : memref<8x32x128xf32, #tpu.memory_space<vmem>> -> memref<1x32x128xf32, #tpu.memory_space<vmem>>
      %dma_wait3A_743 = tpu.memref_squeeze %dma_wait3A_742 : memref<1x32x128xf32, #tpu.memory_space<vmem>> -> memref<32x128xf32, #tpu.memory_space<vmem>>
      %dma_wait3A_744 = arith.constant 0 : i32
      %dma_wait3A_745 = arith.constant 0 : i32
      %dma_wait3A_746 = tpu.memref_slice %arg3[%dma_wait3A_744, %dma_wait3A_745] : memref<32x1000000xf32, #tpu.memory_space<hbm>> -> memref<32x128xf32, #tpu.memory_space<hbm>>
      tpu.wait_dma2 semaphore(%arg9 : memref<!tpu.dma_semaphore, #tpu.memory_space<semaphore_mem>>) src(%dma_wait3A_746 : memref<32x128xf32, #tpu.memory_space<hbm>>) dst(%dma_wait3A_743 : memref<32x128xf32, #tpu.memory_space<vmem>>)
      %dma_wait3A_747 = arith.constant 7 : i32
      %dma_wait3A_748 = arith.constant 0 : i32
      %dma_wait3A_749 = arith.constant 0 : i32
      %dma_wait3A_750 = tpu.memref_slice %arg6[%dma_wait3A_747, %dma_wait3A_748, %dma_wait3A_749] : memref<8x32x128xf32, #tpu.memory_space<vmem>> -> memref<1x32x128xf32, #tpu.memory_space<vmem>>
      %dma_wait3A_751 = tpu.memref_squeeze %dma_wait3A_750 : memref<1x32x128xf32, #tpu.memory_space<vmem>> -> memref<32x128xf32, #tpu.memory_space<vmem>>
      %dma_wait3A_752 = arith.constant 0 : i32
      %dma_wait3A_753 = arith.constant 0 : i32
      %dma_wait3A_754 = tpu.memref_slice %arg3[%dma_wait3A_752, %dma_wait3A_753] : memref<32x1000000xf32, #tpu.memory_space<hbm>> -> memref<32x128xf32, #tpu.memory_space<hbm>>
      %dma_wait3A_755 = arith.constant 0 : i32
      %dma_wait3A_756 = arith.constant 0 : i32
      %dma_wait3A_757 = tpu.memref_slice %arg6[%dma_wait3A_747, %dma_wait3A_755, %dma_wait3A_756] : memref<8x32x128xf32, #tpu.memory_space<vmem>> -> memref<1x32x128xf32, #tpu.memory_space<vmem>>
      %dma_wait3A_758 = tpu.memref_squeeze %dma_wait3A_757 : memref<1x32x128xf32, #tpu.memory_space<vmem>> -> memref<32x128xf32, #tpu.memory_space<vmem>>
      %dma_wait3A_759 = arith.constant 0 : i32
      %dma_wait3A_760 = arith.constant 0 : i32
      %dma_wait3A_761 = tpu.memref_slice %arg3[%dma_wait3A_759, %dma_wait3A_760] : memref<32x1000000xf32, #tpu.memory_space<hbm>> -> memref<32x128xf32, #tpu.memory_space<hbm>>
      tpu.wait_dma2 semaphore(%arg9 : memref<!tpu.dma_semaphore, #tpu.memory_space<semaphore_mem>>) src(%dma_wait3A_761 : memref<32x128xf32, #tpu.memory_space<hbm>>) dst(%dma_wait3A_758 : memref<32x128xf32, #tpu.memory_space<vmem>>)
      %add3A_762 = arith.constant 0 : i32
      %add3A_763 = arith.addi %mul3A_320, %add3A_762 : i32
      %broadcast_in_dim3A_764 = vector.broadcast %add3A_763 : i32 to vector<16xi32>
      %gather3A_765 = tpu.vector_load_idx %arg5[%broadcast_in_dim3A_764] : memref<528xi32, #tpu.memory_space<vmem>>[vector<16xi32>], vector<16xi32>,
      %and3A_766 = arith.constant 127 : i32
      %and3A_767 = vector.broadcast %and3A_766 : i32 to vector<16xi32>
      %and3A_768 = arith.andi %gather3A_765, %and3A_767 : vector<16xi32>
      %add3A_769 = arith.constant 0 : i32
      %add3A_770 = arith.addi %mul3A_320, %add3A_769 : i32
      %broadcast_in_dim3A_771 = vector.broadcast %add3A_770 : i32 to vector<16xi32>
      %broadcast_in_dim3A_772 = arith.constant 0 : i32
      %broadcast_in_dim3A_773 = vector.broadcast %broadcast_in_dim3A_772 : i32 to vector<16xi32>
      %add3A_774 = arith.constant 0 : i32
      %add3A_775 = vector.broadcast %add3A_774 : i32 to vector<16xi32>
      %add3A_776 = arith.addi %iota3A, %add3A_775 : vector<16xi32>
      %gather3A_777 = tpu.vector_load_idx %arg6[%broadcast_in_dim3A_773, %add3A_776, %and3A_768] : memref<8x32x128xf32, #tpu.memory_space<vmem>>[vector<16xi32>, vector<16xi32>, vector<16xi32>], vector<16xf32>,
      %add3A_778 = arith.constant 0 : i32
      %add3A_779 = vector.broadcast %add3A_778 : i32 to vector<16xi32>
      %add3A_780 = arith.addi %iota3A, %add3A_779 : vector<16xi32>
      tpu.vector_store_idx %arg8[%add3A_780, %broadcast_in_dim3A_771], %gather3A_777 : memref<32x512xf32, #tpu.memory_space<vmem>>[vector<16xi32>, vector<16xi32>], vector<16xf32>,
      %add3A_781 = arith.constant 16 : i32
      %add3A_782 = vector.broadcast %add3A_781 : i32 to vector<16xi32>
      %add3A_783 = arith.addi %iota3A, %add3A_782 : vector<16xi32>
      %gather3A_784 = tpu.vector_load_idx %arg6[%broadcast_in_dim3A_773, %add3A_783, %and3A_768] : memref<8x32x128xf32, #tpu.memory_space<vmem>>[vector<16xi32>, vector<16xi32>, vector<16xi32>], vector<16xf32>,
      %add3A_785 = arith.constant 16 : i32
      %add3A_786 = vector.broadcast %add3A_785 : i32 to vector<16xi32>
      %add3A_787 = arith.addi %iota3A, %add3A_786 : vector<16xi32>
      tpu.vector_store_idx %arg8[%add3A_787, %broadcast_in_dim3A_771], %gather3A_784 : memref<32x512xf32, #tpu.memory_space<vmem>>[vector<16xi32>, vector<16xi32>], vector<16xf32>,
      %add3A_788 = arith.constant 1 : i32
      %add3A_789 = arith.addi %mul3A_320, %add3A_788 : i32
      %broadcast_in_dim3A_790 = vector.broadcast %add3A_789 : i32 to vector<16xi32>
      %gather3A_791 = tpu.vector_load_idx %arg5[%broadcast_in_dim3A_790] : memref<528xi32, #tpu.memory_space<vmem>>[vector<16xi32>], vector<16xi32>,
      %and3A_792 = arith.constant 127 : i32
      %and3A_793 = vector.broadcast %and3A_792 : i32 to vector<16xi32>
      %and3A_794 = arith.andi %gather3A_791, %and3A_793 : vector<16xi32>
      %add3A_795 = arith.constant 1 : i32
      %add3A_796 = arith.addi %mul3A_320, %add3A_795 : i32
      %broadcast_in_dim3A_797 = vector.broadcast %add3A_796 : i32 to vector<16xi32>
      %broadcast_in_dim3A_798 = arith.constant 1 : i32
      %broadcast_in_dim3A_799 = vector.broadcast %broadcast_in_dim3A_798 : i32 to vector<16xi32>
      %add3A_800 = arith.constant 0 : i32
      %add3A_801 = vector.broadcast %add3A_800 : i32 to vector<16xi32>
      %add3A_802 = arith.addi %iota3A, %add3A_801 : vector<16xi32>
      %gather3A_803 = tpu.vector_load_idx %arg6[%broadcast_in_dim3A_799, %add3A_802, %and3A_794] : memref<8x32x128xf32, #tpu.memory_space<vmem>>[vector<16xi32>, vector<16xi32>, vector<16xi32>], vector<16xf32>,
      %add3A_804 = arith.constant 0 : i32
      %add3A_805 = vector.broadcast %add3A_804 : i32 to vector<16xi32>
      %add3A_806 = arith.addi %iota3A, %add3A_805 : vector<16xi32>
      tpu.vector_store_idx %arg8[%add3A_806, %broadcast_in_dim3A_797], %gather3A_803 : memref<32x512xf32, #tpu.memory_space<vmem>>[vector<16xi32>, vector<16xi32>], vector<16xf32>,
      %add3A_807 = arith.constant 16 : i32
      %add3A_808 = vector.broadcast %add3A_807 : i32 to vector<16xi32>
      %add3A_809 = arith.addi %iota3A, %add3A_808 : vector<16xi32>
      %gather3A_810 = tpu.vector_load_idx %arg6[%broadcast_in_dim3A_799, %add3A_809, %and3A_794] : memref<8x32x128xf32, #tpu.memory_space<vmem>>[vector<16xi32>, vector<16xi32>, vector<16xi32>], vector<16xf32>,
      %add3A_811 = arith.constant 16 : i32
      %add3A_812 = vector.broadcast %add3A_811 : i32 to vector<16xi32>
      %add3A_813 = arith.addi %iota3A, %add3A_812 : vector<16xi32>
      tpu.vector_store_idx %arg8[%add3A_813, %broadcast_in_dim3A_797], %gather3A_810 : memref<32x512xf32, #tpu.memory_space<vmem>>[vector<16xi32>, vector<16xi32>], vector<16xf32>,
      %add3A_814 = arith.constant 2 : i32
      %add3A_815 = arith.addi %mul3A_320, %add3A_814 : i32
      %broadcast_in_dim3A_816 = vector.broadcast %add3A_815 : i32 to vector<16xi32>
      %gather3A_817 = tpu.vector_load_idx %arg5[%broadcast_in_dim3A_816] : memref<528xi32, #tpu.memory_space<vmem>>[vector<16xi32>], vector<16xi32>,
      %and3A_818 = arith.constant 127 : i32
      %and3A_819 = vector.broadcast %and3A_818 : i32 to vector<16xi32>
      %and3A_820 = arith.andi %gather3A_817, %and3A_819 : vector<16xi32>
      %add3A_821 = arith.constant 2 : i32
      %add3A_822 = arith.addi %mul3A_320, %add3A_821 : i32
      %broadcast_in_dim3A_823 = vector.broadcast %add3A_822 : i32 to vector<16xi32>
      %broadcast_in_dim3A_824 = arith.constant 2 : i32
      %broadcast_in_dim3A_825 = vector.broadcast %broadcast_in_dim3A_824 : i32 to vector<16xi32>
      %add3A_826 = arith.constant 0 : i32
      %add3A_827 = vector.broadcast %add3A_826 : i32 to vector<16xi32>
      %add3A_828 = arith.addi %iota3A, %add3A_827 : vector<16xi32>
      %gather3A_829 = tpu.vector_load_idx %arg6[%broadcast_in_dim3A_825, %add3A_828, %and3A_820] : memref<8x32x128xf32, #tpu.memory_space<vmem>>[vector<16xi32>, vector<16xi32>, vector<16xi32>], vector<16xf32>,
      %add3A_830 = arith.constant 0 : i32
      %add3A_831 = vector.broadcast %add3A_830 : i32 to vector<16xi32>
      %add3A_832 = arith.addi %iota3A, %add3A_831 : vector<16xi32>
      tpu.vector_store_idx %arg8[%add3A_832, %broadcast_in_dim3A_823], %gather3A_829 : memref<32x512xf32, #tpu.memory_space<vmem>>[vector<16xi32>, vector<16xi32>], vector<16xf32>,
      %add3A_833 = arith.constant 16 : i32
      %add3A_834 = vector.broadcast %add3A_833 : i32 to vector<16xi32>
      %add3A_835 = arith.addi %iota3A, %add3A_834 : vector<16xi32>
      %gather3A_836 = tpu.vector_load_idx %arg6[%broadcast_in_dim3A_825, %add3A_835, %and3A_820] : memref<8x32x128xf32, #tpu.memory_space<vmem>>[vector<16xi32>, vector<16xi32>, vector<16xi32>], vector<16xf32>,
      %add3A_837 = arith.constant 16 : i32
      %add3A_838 = vector.broadcast %add3A_837 : i32 to vector<16xi32>
      %add3A_839 = arith.addi %iota3A, %add3A_838 : vector<16xi32>
      tpu.vector_store_idx %arg8[%add3A_839, %broadcast_in_dim3A_823], %gather3A_836 : memref<32x512xf32, #tpu.memory_space<vmem>>[vector<16xi32>, vector<16xi32>], vector<16xf32>,
      %add3A_840 = arith.constant 3 : i32
      %add3A_841 = arith.addi %mul3A_320, %add3A_840 : i32
      %broadcast_in_dim3A_842 = vector.broadcast %add3A_841 : i32 to vector<16xi32>
      %gather3A_843 = tpu.vector_load_idx %arg5[%broadcast_in_dim3A_842] : memref<528xi32, #tpu.memory_space<vmem>>[vector<16xi32>], vector<16xi32>,
      %and3A_844 = arith.constant 127 : i32
      %and3A_845 = vector.broadcast %and3A_844 : i32 to vector<16xi32>
      %and3A_846 = arith.andi %gather3A_843, %and3A_845 : vector<16xi32>
      %add3A_847 = arith.constant 3 : i32
      %add3A_848 = arith.addi %mul3A_320, %add3A_847 : i32
      %broadcast_in_dim3A_849 = vector.broadcast %add3A_848 : i32 to vector<16xi32>
      %broadcast_in_dim3A_850 = arith.constant 3 : i32
      %broadcast_in_dim3A_851 = vector.broadcast %broadcast_in_dim3A_850 : i32 to vector<16xi32>
      %add3A_852 = arith.constant 0 : i32
      %add3A_853 = vector.broadcast %add3A_852 : i32 to vector<16xi32>
      %add3A_854 = arith.addi %iota3A, %add3A_853 : vector<16xi32>
      %gather3A_855 = tpu.vector_load_idx %arg6[%broadcast_in_dim3A_851, %add3A_854, %and3A_846] : memref<8x32x128xf32, #tpu.memory_space<vmem>>[vector<16xi32>, vector<16xi32>, vector<16xi32>], vector<16xf32>,
      %add3A_856 = arith.constant 0 : i32
      %add3A_857 = vector.broadcast %add3A_856 : i32 to vector<16xi32>
      %add3A_858 = arith.addi %iota3A, %add3A_857 : vector<16xi32>
      tpu.vector_store_idx %arg8[%add3A_858, %broadcast_in_dim3A_849], %gather3A_855 : memref<32x512xf32, #tpu.memory_space<vmem>>[vector<16xi32>, vector<16xi32>], vector<16xf32>,
      %add3A_859 = arith.constant 16 : i32
      %add3A_860 = vector.broadcast %add3A_859 : i32 to vector<16xi32>
      %add3A_861 = arith.addi %iota3A, %add3A_860 : vector<16xi32>
      %gather3A_862 = tpu.vector_load_idx %arg6[%broadcast_in_dim3A_851, %add3A_861, %and3A_846] : memref<8x32x128xf32, #tpu.memory_space<vmem>>[vector<16xi32>, vector<16xi32>, vector<16xi32>], vector<16xf32>,
      %add3A_863 = arith.constant 16 : i32
      %add3A_864 = vector.broadcast %add3A_863 : i32 to vector<16xi32>
      %add3A_865 = arith.addi %iota3A, %add3A_864 : vector<16xi32>
      tpu.vector_store_idx %arg8[%add3A_865, %broadcast_in_dim3A_849], %gather3A_862 : memref<32x512xf32, #tpu.memory_space<vmem>>[vector<16xi32>, vector<16xi32>], vector<16xf32>,
      %add3A_866 = arith.constant 4 : i32
      %add3A_867 = arith.addi %mul3A_320, %add3A_866 : i32
      %broadcast_in_dim3A_868 = vector.broadcast %add3A_867 : i32 to vector<16xi32>
      %gather3A_869 = tpu.vector_load_idx %arg5[%broadcast_in_dim3A_868] : memref<528xi32, #tpu.memory_space<vmem>>[vector<16xi32>], vector<16xi32>,
      %and3A_870 = arith.constant 127 : i32
      %and3A_871 = vector.broadcast %and3A_870 : i32 to vector<16xi32>
      %and3A_872 = arith.andi %gather3A_869, %and3A_871 : vector<16xi32>
      %add3A_873 = arith.constant 4 : i32
      %add3A_874 = arith.addi %mul3A_320, %add3A_873 : i32
      %broadcast_in_dim3A_875 = vector.broadcast %add3A_874 : i32 to vector<16xi32>
      %broadcast_in_dim3A_876 = arith.constant 4 : i32
      %broadcast_in_dim3A_877 = vector.broadcast %broadcast_in_dim3A_876 : i32 to vector<16xi32>
      %add3A_878 = arith.constant 0 : i32
      %add3A_879 = vector.broadcast %add3A_878 : i32 to vector<16xi32>
      %add3A_880 = arith.addi %iota3A, %add3A_879 : vector<16xi32>
      %gather3A_881 = tpu.vector_load_idx %arg6[%broadcast_in_dim3A_877, %add3A_880, %and3A_872] : memref<8x32x128xf32, #tpu.memory_space<vmem>>[vector<16xi32>, vector<16xi32>, vector<16xi32>], vector<16xf32>,
      %add3A_882 = arith.constant 0 : i32
      %add3A_883 = vector.broadcast %add3A_882 : i32 to vector<16xi32>
      %add3A_884 = arith.addi %iota3A, %add3A_883 : vector<16xi32>
      tpu.vector_store_idx %arg8[%add3A_884, %broadcast_in_dim3A_875], %gather3A_881 : memref<32x512xf32, #tpu.memory_space<vmem>>[vector<16xi32>, vector<16xi32>], vector<16xf32>,
      %add3A_885 = arith.constant 16 : i32
      %add3A_886 = vector.broadcast %add3A_885 : i32 to vector<16xi32>
      %add3A_887 = arith.addi %iota3A, %add3A_886 : vector<16xi32>
      %gather3A_888 = tpu.vector_load_idx %arg6[%broadcast_in_dim3A_877, %add3A_887, %and3A_872] : memref<8x32x128xf32, #tpu.memory_space<vmem>>[vector<16xi32>, vector<16xi32>, vector<16xi32>], vector<16xf32>,
      %add3A_889 = arith.constant 16 : i32
      %add3A_890 = vector.broadcast %add3A_889 : i32 to vector<16xi32>
      %add3A_891 = arith.addi %iota3A, %add3A_890 : vector<16xi32>
      tpu.vector_store_idx %arg8[%add3A_891, %broadcast_in_dim3A_875], %gather3A_888 : memref<32x512xf32, #tpu.memory_space<vmem>>[vector<16xi32>, vector<16xi32>], vector<16xf32>,
      %add3A_892 = arith.constant 5 : i32
      %add3A_893 = arith.addi %mul3A_320, %add3A_892 : i32
      %broadcast_in_dim3A_894 = vector.broadcast %add3A_893 : i32 to vector<16xi32>
      %gather3A_895 = tpu.vector_load_idx %arg5[%broadcast_in_dim3A_894] : memref<528xi32, #tpu.memory_space<vmem>>[vector<16xi32>], vector<16xi32>,
      %and3A_896 = arith.constant 127 : i32
      %and3A_897 = vector.broadcast %and3A_896 : i32 to vector<16xi32>
      %and3A_898 = arith.andi %gather3A_895, %and3A_897 : vector<16xi32>
      %add3A_899 = arith.constant 5 : i32
      %add3A_900 = arith.addi %mul3A_320, %add3A_899 : i32
      %broadcast_in_dim3A_901 = vector.broadcast %add3A_900 : i32 to vector<16xi32>
      %broadcast_in_dim3A_902 = arith.constant 5 : i32
      %broadcast_in_dim3A_903 = vector.broadcast %broadcast_in_dim3A_902 : i32 to vector<16xi32>
      %add3A_904 = arith.constant 0 : i32
      %add3A_905 = vector.broadcast %add3A_904 : i32 to vector<16xi32>
      %add3A_906 = arith.addi %iota3A, %add3A_905 : vector<16xi32>
      %gather3A_907 = tpu.vector_load_idx %arg6[%broadcast_in_dim3A_903, %add3A_906, %and3A_898] : memref<8x32x128xf32, #tpu.memory_space<vmem>>[vector<16xi32>, vector<16xi32>, vector<16xi32>], vector<16xf32>,
      %add3A_908 = arith.constant 0 : i32
      %add3A_909 = vector.broadcast %add3A_908 : i32 to vector<16xi32>
      %add3A_910 = arith.addi %iota3A, %add3A_909 : vector<16xi32>
      tpu.vector_store_idx %arg8[%add3A_910, %broadcast_in_dim3A_901], %gather3A_907 : memref<32x512xf32, #tpu.memory_space<vmem>>[vector<16xi32>, vector<16xi32>], vector<16xf32>,
      %add3A_911 = arith.constant 16 : i32
      %add3A_912 = vector.broadcast %add3A_911 : i32 to vector<16xi32>
      %add3A_913 = arith.addi %iota3A, %add3A_912 : vector<16xi32>
      %gather3A_914 = tpu.vector_load_idx %arg6[%broadcast_in_dim3A_903, %add3A_913, %and3A_898] : memref<8x32x128xf32, #tpu.memory_space<vmem>>[vector<16xi32>, vector<16xi32>, vector<16xi32>], vector<16xf32>,
      %add3A_915 = arith.constant 16 : i32
      %add3A_916 = vector.broadcast %add3A_915 : i32 to vector<16xi32>
      %add3A_917 = arith.addi %iota3A, %add3A_916 : vector<16xi32>
      tpu.vector_store_idx %arg8[%add3A_917, %broadcast_in_dim3A_901], %gather3A_914 : memref<32x512xf32, #tpu.memory_space<vmem>>[vector<16xi32>, vector<16xi32>], vector<16xf32>,
      %add3A_918 = arith.constant 6 : i32
      %add3A_919 = arith.addi %mul3A_320, %add3A_918 : i32
      %broadcast_in_dim3A_920 = vector.broadcast %add3A_919 : i32 to vector<16xi32>
      %gather3A_921 = tpu.vector_load_idx %arg5[%broadcast_in_dim3A_920] : memref<528xi32, #tpu.memory_space<vmem>>[vector<16xi32>], vector<16xi32>,
      %and3A_922 = arith.constant 127 : i32
      %and3A_923 = vector.broadcast %and3A_922 : i32 to vector<16xi32>
      %and3A_924 = arith.andi %gather3A_921, %and3A_923 : vector<16xi32>
      %add3A_925 = arith.constant 6 : i32
      %add3A_926 = arith.addi %mul3A_320, %add3A_925 : i32
      %broadcast_in_dim3A_927 = vector.broadcast %add3A_926 : i32 to vector<16xi32>
      %broadcast_in_dim3A_928 = arith.constant 6 : i32
      %broadcast_in_dim3A_929 = vector.broadcast %broadcast_in_dim3A_928 : i32 to vector<16xi32>
      %add3A_930 = arith.constant 0 : i32
      %add3A_931 = vector.broadcast %add3A_930 : i32 to vector<16xi32>
      %add3A_932 = arith.addi %iota3A, %add3A_931 : vector<16xi32>
      %gather3A_933 = tpu.vector_load_idx %arg6[%broadcast_in_dim3A_929, %add3A_932, %and3A_924] : memref<8x32x128xf32, #tpu.memory_space<vmem>>[vector<16xi32>, vector<16xi32>, vector<16xi32>], vector<16xf32>,
      %add3A_934 = arith.constant 0 : i32
      %add3A_935 = vector.broadcast %add3A_934 : i32 to vector<16xi32>
      %add3A_936 = arith.addi %iota3A, %add3A_935 : vector<16xi32>
      tpu.vector_store_idx %arg8[%add3A_936, %broadcast_in_dim3A_927], %gather3A_933 : memref<32x512xf32, #tpu.memory_space<vmem>>[vector<16xi32>, vector<16xi32>], vector<16xf32>,
      %add3A_937 = arith.constant 16 : i32
      %add3A_938 = vector.broadcast %add3A_937 : i32 to vector<16xi32>
      %add3A_939 = arith.addi %iota3A, %add3A_938 : vector<16xi32>
      %gather3A_940 = tpu.vector_load_idx %arg6[%broadcast_in_dim3A_929, %add3A_939, %and3A_924] : memref<8x32x128xf32, #tpu.memory_space<vmem>>[vector<16xi32>, vector<16xi32>, vector<16xi32>], vector<16xf32>,
      %add3A_941 = arith.constant 16 : i32
      %add3A_942 = vector.broadcast %add3A_941 : i32 to vector<16xi32>
      %add3A_943 = arith.addi %iota3A, %add3A_942 : vector<16xi32>
      tpu.vector_store_idx %arg8[%add3A_943, %broadcast_in_dim3A_927], %gather3A_940 : memref<32x512xf32, #tpu.memory_space<vmem>>[vector<16xi32>, vector<16xi32>], vector<16xf32>,
      %add3A_944 = arith.constant 7 : i32
      %add3A_945 = arith.addi %mul3A_320, %add3A_944 : i32
      %broadcast_in_dim3A_946 = vector.broadcast %add3A_945 : i32 to vector<16xi32>
      %gather3A_947 = tpu.vector_load_idx %arg5[%broadcast_in_dim3A_946] : memref<528xi32, #tpu.memory_space<vmem>>[vector<16xi32>], vector<16xi32>,
      %and3A_948 = arith.constant 127 : i32
      %and3A_949 = vector.broadcast %and3A_948 : i32 to vector<16xi32>
      %and3A_950 = arith.andi %gather3A_947, %and3A_949 : vector<16xi32>
      %add3A_951 = arith.constant 7 : i32
      %add3A_952 = arith.addi %mul3A_320, %add3A_951 : i32
      %broadcast_in_dim3A_953 = vector.broadcast %add3A_952 : i32 to vector<16xi32>
      %broadcast_in_dim3A_954 = arith.constant 7 : i32
      %broadcast_in_dim3A_955 = vector.broadcast %broadcast_in_dim3A_954 : i32 to vector<16xi32>
      %add3A_956 = arith.constant 0 : i32
      %add3A_957 = vector.broadcast %add3A_956 : i32 to vector<16xi32>
      %add3A_958 = arith.addi %iota3A, %add3A_957 : vector<16xi32>
      %gather3A_959 = tpu.vector_load_idx %arg6[%broadcast_in_dim3A_955, %add3A_958, %and3A_950] : memref<8x32x128xf32, #tpu.memory_space<vmem>>[vector<16xi32>, vector<16xi32>, vector<16xi32>], vector<16xf32>,
      %add3A_960 = arith.constant 0 : i32
      %add3A_961 = vector.broadcast %add3A_960 : i32 to vector<16xi32>
      %add3A_962 = arith.addi %iota3A, %add3A_961 : vector<16xi32>
      tpu.vector_store_idx %arg8[%add3A_962, %broadcast_in_dim3A_953], %gather3A_959 : memref<32x512xf32, #tpu.memory_space<vmem>>[vector<16xi32>, vector<16xi32>], vector<16xf32>,
      %add3A_963 = arith.constant 16 : i32
      %add3A_964 = vector.broadcast %add3A_963 : i32 to vector<16xi32>
      %add3A_965 = arith.addi %iota3A, %add3A_964 : vector<16xi32>
      %gather3A_966 = tpu.vector_load_idx %arg6[%broadcast_in_dim3A_955, %add3A_965, %and3A_950] : memref<8x32x128xf32, #tpu.memory_space<vmem>>[vector<16xi32>, vector<16xi32>, vector<16xi32>], vector<16xf32>,
      %add3A_967 = arith.constant 16 : i32
      %add3A_968 = vector.broadcast %add3A_967 : i32 to vector<16xi32>
      %add3A_969 = arith.addi %iota3A, %add3A_968 : vector<16xi32>
      tpu.vector_store_idx %arg8[%add3A_969, %broadcast_in_dim3A_953], %gather3A_966 : memref<32x512xf32, #tpu.memory_space<vmem>>[vector<16xi32>, vector<16xi32>], vector<16xf32>,
    }
    %scan3A_7 = arith.constant 32 : i32
    %dma_wait3A = arith.constant 0 : i32
    %dma_wait3A_8 = arith.constant 0 : i32
    %dma_wait3A_9 = arith.constant 0 : i32
    %dma_wait3A_10 = tpu.memref_slice %arg7[%dma_wait3A, %dma_wait3A_8, %dma_wait3A_9] : memref<8x32x128xf32, #tpu.memory_space<vmem>> -> memref<1x32x128xf32, #tpu.memory_space<vmem>>
    %dma_wait3A_11 = tpu.memref_squeeze %dma_wait3A_10 : memref<1x32x128xf32, #tpu.memory_space<vmem>> -> memref<32x128xf32, #tpu.memory_space<vmem>>
    %dma_wait3A_12 = arith.constant 0 : i32
    %dma_wait3A_13 = arith.constant 0 : i32
    %dma_wait3A_14 = tpu.memref_slice %arg3[%dma_wait3A_12, %dma_wait3A_13] : memref<32x1000000xf32, #tpu.memory_space<hbm>> -> memref<32x128xf32, #tpu.memory_space<hbm>>
    %dma_wait3A_15 = arith.constant 0 : i32
    %dma_wait3A_16 = arith.constant 0 : i32
    %dma_wait3A_17 = tpu.memref_slice %arg7[%dma_wait3A, %dma_wait3A_15, %dma_wait3A_16] : memref<8x32x128xf32, #tpu.memory_space<vmem>> -> memref<1x32x128xf32, #tpu.memory_space<vmem>>
    %dma_wait3A_18 = tpu.memref_squeeze %dma_wait3A_17 : memref<1x32x128xf32, #tpu.memory_space<vmem>> -> memref<32x128xf32, #tpu.memory_space<vmem>>
    %dma_wait3A_19 = arith.constant 0 : i32
    %dma_wait3A_20 = arith.constant 0 : i32
    %dma_wait3A_21 = tpu.memref_slice %arg3[%dma_wait3A_19, %dma_wait3A_20] : memref<32x1000000xf32, #tpu.memory_space<hbm>> -> memref<32x128xf32, #tpu.memory_space<hbm>>
    tpu.wait_dma2 semaphore(%arg10 : memref<!tpu.dma_semaphore, #tpu.memory_space<semaphore_mem>>) src(%dma_wait3A_21 : memref<32x128xf32, #tpu.memory_space<hbm>>) dst(%dma_wait3A_18 : memref<32x128xf32, #tpu.memory_space<vmem>>)
    %dma_wait3A_22 = arith.constant 1 : i32
    %dma_wait3A_23 = arith.constant 0 : i32
    %dma_wait3A_24 = arith.constant 0 : i32
    %dma_wait3A_25 = tpu.memref_slice %arg7[%dma_wait3A_22, %dma_wait3A_23, %dma_wait3A_24] : memref<8x32x128xf32, #tpu.memory_space<vmem>> -> memref<1x32x128xf32, #tpu.memory_space<vmem>>
    %dma_wait3A_26 = tpu.memref_squeeze %dma_wait3A_25 : memref<1x32x128xf32, #tpu.memory_space<vmem>> -> memref<32x128xf32, #tpu.memory_space<vmem>>
    %dma_wait3A_27 = arith.constant 0 : i32
    %dma_wait3A_28 = arith.constant 0 : i32
    %dma_wait3A_29 = tpu.memref_slice %arg3[%dma_wait3A_27, %dma_wait3A_28] : memref<32x1000000xf32, #tpu.memory_space<hbm>> -> memref<32x128xf32, #tpu.memory_space<hbm>>
    %dma_wait3A_30 = arith.constant 0 : i32
    %dma_wait3A_31 = arith.constant 0 : i32
    %dma_wait3A_32 = tpu.memref_slice %arg7[%dma_wait3A_22, %dma_wait3A_30, %dma_wait3A_31] : memref<8x32x128xf32, #tpu.memory_space<vmem>> -> memref<1x32x128xf32, #tpu.memory_space<vmem>>
    %dma_wait3A_33 = tpu.memref_squeeze %dma_wait3A_32 : memref<1x32x128xf32, #tpu.memory_space<vmem>> -> memref<32x128xf32, #tpu.memory_space<vmem>>
    %dma_wait3A_34 = arith.constant 0 : i32
    %dma_wait3A_35 = arith.constant 0 : i32
    %dma_wait3A_36 = tpu.memref_slice %arg3[%dma_wait3A_34, %dma_wait3A_35] : memref<32x1000000xf32, #tpu.memory_space<hbm>> -> memref<32x128xf32, #tpu.memory_space<hbm>>
    tpu.wait_dma2 semaphore(%arg10 : memref<!tpu.dma_semaphore, #tpu.memory_space<semaphore_mem>>) src(%dma_wait3A_36 : memref<32x128xf32, #tpu.memory_space<hbm>>) dst(%dma_wait3A_33 : memref<32x128xf32, #tpu.memory_space<vmem>>)
    %dma_wait3A_37 = arith.constant 2 : i32
    %dma_wait3A_38 = arith.constant 0 : i32
    %dma_wait3A_39 = arith.constant 0 : i32
    %dma_wait3A_40 = tpu.memref_slice %arg7[%dma_wait3A_37, %dma_wait3A_38, %dma_wait3A_39] : memref<8x32x128xf32, #tpu.memory_space<vmem>> -> memref<1x32x128xf32, #tpu.memory_space<vmem>>
    %dma_wait3A_41 = tpu.memref_squeeze %dma_wait3A_40 : memref<1x32x128xf32, #tpu.memory_space<vmem>> -> memref<32x128xf32, #tpu.memory_space<vmem>>
    %dma_wait3A_42 = arith.constant 0 : i32
    %dma_wait3A_43 = arith.constant 0 : i32
    %dma_wait3A_44 = tpu.memref_slice %arg3[%dma_wait3A_42, %dma_wait3A_43] : memref<32x1000000xf32, #tpu.memory_space<hbm>> -> memref<32x128xf32, #tpu.memory_space<hbm>>
    %dma_wait3A_45 = arith.constant 0 : i32
    %dma_wait3A_46 = arith.constant 0 : i32
    %dma_wait3A_47 = tpu.memref_slice %arg7[%dma_wait3A_37, %dma_wait3A_45, %dma_wait3A_46] : memref<8x32x128xf32, #tpu.memory_space<vmem>> -> memref<1x32x128xf32, #tpu.memory_space<vmem>>
    %dma_wait3A_48 = tpu.memref_squeeze %dma_wait3A_47 : memref<1x32x128xf32, #tpu.memory_space<vmem>> -> memref<32x128xf32, #tpu.memory_space<vmem>>
    %dma_wait3A_49 = arith.constant 0 : i32
    %dma_wait3A_50 = arith.constant 0 : i32
    %dma_wait3A_51 = tpu.memref_slice %arg3[%dma_wait3A_49, %dma_wait3A_50] : memref<32x1000000xf32, #tpu.memory_space<hbm>> -> memref<32x128xf32, #tpu.memory_space<hbm>>
    tpu.wait_dma2 semaphore(%arg10 : memref<!tpu.dma_semaphore, #tpu.memory_space<semaphore_mem>>) src(%dma_wait3A_51 : memref<32x128xf32, #tpu.memory_space<hbm>>) dst(%dma_wait3A_48 : memref<32x128xf32, #tpu.memory_space<vmem>>)
    %dma_wait3A_52 = arith.constant 3 : i32
    %dma_wait3A_53 = arith.constant 0 : i32
    %dma_wait3A_54 = arith.constant 0 : i32
    %dma_wait3A_55 = tpu.memref_slice %arg7[%dma_wait3A_52, %dma_wait3A_53, %dma_wait3A_54] : memref<8x32x128xf32, #tpu.memory_space<vmem>> -> memref<1x32x128xf32, #tpu.memory_space<vmem>>
    %dma_wait3A_56 = tpu.memref_squeeze %dma_wait3A_55 : memref<1x32x128xf32, #tpu.memory_space<vmem>> -> memref<32x128xf32, #tpu.memory_space<vmem>>
    %dma_wait3A_57 = arith.constant 0 : i32
    %dma_wait3A_58 = arith.constant 0 : i32
    %dma_wait3A_59 = tpu.memref_slice %arg3[%dma_wait3A_57, %dma_wait3A_58] : memref<32x1000000xf32, #tpu.memory_space<hbm>> -> memref<32x128xf32, #tpu.memory_space<hbm>>
    %dma_wait3A_60 = arith.constant 0 : i32
    %dma_wait3A_61 = arith.constant 0 : i32
    %dma_wait3A_62 = tpu.memref_slice %arg7[%dma_wait3A_52, %dma_wait3A_60, %dma_wait3A_61] : memref<8x32x128xf32, #tpu.memory_space<vmem>> -> memref<1x32x128xf32, #tpu.memory_space<vmem>>
    %dma_wait3A_63 = tpu.memref_squeeze %dma_wait3A_62 : memref<1x32x128xf32, #tpu.memory_space<vmem>> -> memref<32x128xf32, #tpu.memory_space<vmem>>
    %dma_wait3A_64 = arith.constant 0 : i32
    %dma_wait3A_65 = arith.constant 0 : i32
    %dma_wait3A_66 = tpu.memref_slice %arg3[%dma_wait3A_64, %dma_wait3A_65] : memref<32x1000000xf32, #tpu.memory_space<hbm>> -> memref<32x128xf32, #tpu.memory_space<hbm>>
    tpu.wait_dma2 semaphore(%arg10 : memref<!tpu.dma_semaphore, #tpu.memory_space<semaphore_mem>>) src(%dma_wait3A_66 : memref<32x128xf32, #tpu.memory_space<hbm>>) dst(%dma_wait3A_63 : memref<32x128xf32, #tpu.memory_space<vmem>>)
    %dma_wait3A_67 = arith.constant 4 : i32
    %dma_wait3A_68 = arith.constant 0 : i32
    %dma_wait3A_69 = arith.constant 0 : i32
    %dma_wait3A_70 = tpu.memref_slice %arg7[%dma_wait3A_67, %dma_wait3A_68, %dma_wait3A_69] : memref<8x32x128xf32, #tpu.memory_space<vmem>> -> memref<1x32x128xf32, #tpu.memory_space<vmem>>
    %dma_wait3A_71 = tpu.memref_squeeze %dma_wait3A_70 : memref<1x32x128xf32, #tpu.memory_space<vmem>> -> memref<32x128xf32, #tpu.memory_space<vmem>>
    %dma_wait3A_72 = arith.constant 0 : i32
    %dma_wait3A_73 = arith.constant 0 : i32
    %dma_wait3A_74 = tpu.memref_slice %arg3[%dma_wait3A_72, %dma_wait3A_73] : memref<32x1000000xf32, #tpu.memory_space<hbm>> -> memref<32x128xf32, #tpu.memory_space<hbm>>
    %dma_wait3A_75 = arith.constant 0 : i32
    %dma_wait3A_76 = arith.constant 0 : i32
    %dma_wait3A_77 = tpu.memref_slice %arg7[%dma_wait3A_67, %dma_wait3A_75, %dma_wait3A_76] : memref<8x32x128xf32, #tpu.memory_space<vmem>> -> memref<1x32x128xf32, #tpu.memory_space<vmem>>
    %dma_wait3A_78 = tpu.memref_squeeze %dma_wait3A_77 : memref<1x32x128xf32, #tpu.memory_space<vmem>> -> memref<32x128xf32, #tpu.memory_space<vmem>>
    %dma_wait3A_79 = arith.constant 0 : i32
    %dma_wait3A_80 = arith.constant 0 : i32
    %dma_wait3A_81 = tpu.memref_slice %arg3[%dma_wait3A_79, %dma_wait3A_80] : memref<32x1000000xf32, #tpu.memory_space<hbm>> -> memref<32x128xf32, #tpu.memory_space<hbm>>
    tpu.wait_dma2 semaphore(%arg10 : memref<!tpu.dma_semaphore, #tpu.memory_space<semaphore_mem>>) src(%dma_wait3A_81 : memref<32x128xf32, #tpu.memory_space<hbm>>) dst(%dma_wait3A_78 : memref<32x128xf32, #tpu.memory_space<vmem>>)
    %dma_wait3A_82 = arith.constant 5 : i32
    %dma_wait3A_83 = arith.constant 0 : i32
    %dma_wait3A_84 = arith.constant 0 : i32
    %dma_wait3A_85 = tpu.memref_slice %arg7[%dma_wait3A_82, %dma_wait3A_83, %dma_wait3A_84] : memref<8x32x128xf32, #tpu.memory_space<vmem>> -> memref<1x32x128xf32, #tpu.memory_space<vmem>>
    %dma_wait3A_86 = tpu.memref_squeeze %dma_wait3A_85 : memref<1x32x128xf32, #tpu.memory_space<vmem>> -> memref<32x128xf32, #tpu.memory_space<vmem>>
    %dma_wait3A_87 = arith.constant 0 : i32
    %dma_wait3A_88 = arith.constant 0 : i32
    %dma_wait3A_89 = tpu.memref_slice %arg3[%dma_wait3A_87, %dma_wait3A_88] : memref<32x1000000xf32, #tpu.memory_space<hbm>> -> memref<32x128xf32, #tpu.memory_space<hbm>>
    %dma_wait3A_90 = arith.constant 0 : i32
    %dma_wait3A_91 = arith.constant 0 : i32
    %dma_wait3A_92 = tpu.memref_slice %arg7[%dma_wait3A_82, %dma_wait3A_90, %dma_wait3A_91] : memref<8x32x128xf32, #tpu.memory_space<vmem>> -> memref<1x32x128xf32, #tpu.memory_space<vmem>>
    %dma_wait3A_93 = tpu.memref_squeeze %dma_wait3A_92 : memref<1x32x128xf32, #tpu.memory_space<vmem>> -> memref<32x128xf32, #tpu.memory_space<vmem>>
    %dma_wait3A_94 = arith.constant 0 : i32
    %dma_wait3A_95 = arith.constant 0 : i32
    %dma_wait3A_96 = tpu.memref_slice %arg3[%dma_wait3A_94, %dma_wait3A_95] : memref<32x1000000xf32, #tpu.memory_space<hbm>> -> memref<32x128xf32, #tpu.memory_space<hbm>>
    tpu.wait_dma2 semaphore(%arg10 : memref<!tpu.dma_semaphore, #tpu.memory_space<semaphore_mem>>) src(%dma_wait3A_96 : memref<32x128xf32, #tpu.memory_space<hbm>>) dst(%dma_wait3A_93 : memref<32x128xf32, #tpu.memory_space<vmem>>)
    %dma_wait3A_97 = arith.constant 6 : i32
    %dma_wait3A_98 = arith.constant 0 : i32
    %dma_wait3A_99 = arith.constant 0 : i32
    %dma_wait3A_100 = tpu.memref_slice %arg7[%dma_wait3A_97, %dma_wait3A_98, %dma_wait3A_99] : memref<8x32x128xf32, #tpu.memory_space<vmem>> -> memref<1x32x128xf32, #tpu.memory_space<vmem>>
    %dma_wait3A_101 = tpu.memref_squeeze %dma_wait3A_100 : memref<1x32x128xf32, #tpu.memory_space<vmem>> -> memref<32x128xf32, #tpu.memory_space<vmem>>
    %dma_wait3A_102 = arith.constant 0 : i32
    %dma_wait3A_103 = arith.constant 0 : i32
    %dma_wait3A_104 = tpu.memref_slice %arg3[%dma_wait3A_102, %dma_wait3A_103] : memref<32x1000000xf32, #tpu.memory_space<hbm>> -> memref<32x128xf32, #tpu.memory_space<hbm>>
    %dma_wait3A_105 = arith.constant 0 : i32
    %dma_wait3A_106 = arith.constant 0 : i32
    %dma_wait3A_107 = tpu.memref_slice %arg7[%dma_wait3A_97, %dma_wait3A_105, %dma_wait3A_106] : memref<8x32x128xf32, #tpu.memory_space<vmem>> -> memref<1x32x128xf32, #tpu.memory_space<vmem>>
    %dma_wait3A_108 = tpu.memref_squeeze %dma_wait3A_107 : memref<1x32x128xf32, #tpu.memory_space<vmem>> -> memref<32x128xf32, #tpu.memory_space<vmem>>
    %dma_wait3A_109 = arith.constant 0 : i32
    %dma_wait3A_110 = arith.constant 0 : i32
    %dma_wait3A_111 = tpu.memref_slice %arg3[%dma_wait3A_109, %dma_wait3A_110] : memref<32x1000000xf32, #tpu.memory_space<hbm>> -> memref<32x128xf32, #tpu.memory_space<hbm>>
    tpu.wait_dma2 semaphore(%arg10 : memref<!tpu.dma_semaphore, #tpu.memory_space<semaphore_mem>>) src(%dma_wait3A_111 : memref<32x128xf32, #tpu.memory_space<hbm>>) dst(%dma_wait3A_108 : memref<32x128xf32, #tpu.memory_space<vmem>>)
    %dma_wait3A_112 = arith.constant 7 : i32
    %dma_wait3A_113 = arith.constant 0 : i32
    %dma_wait3A_114 = arith.constant 0 : i32
    %dma_wait3A_115 = tpu.memref_slice %arg7[%dma_wait3A_112, %dma_wait3A_113, %dma_wait3A_114] : memref<8x32x128xf32, #tpu.memory_space<vmem>> -> memref<1x32x128xf32, #tpu.memory_space<vmem>>
    %dma_wait3A_116 = tpu.memref_squeeze %dma_wait3A_115 : memref<1x32x128xf32, #tpu.memory_space<vmem>> -> memref<32x128xf32, #tpu.memory_space<vmem>>
    %dma_wait3A_117 = arith.constant 0 : i32
    %dma_wait3A_118 = arith.constant 0 : i32
    %dma_wait3A_119 = tpu.memref_slice %arg3[%dma_wait3A_117, %dma_wait3A_118] : memref<32x1000000xf32, #tpu.memory_space<hbm>> -> memref<32x128xf32, #tpu.memory_space<hbm>>
    %dma_wait3A_120 = arith.constant 0 : i32
    %dma_wait3A_121 = arith.constant 0 : i32
    %dma_wait3A_122 = tpu.memref_slice %arg7[%dma_wait3A_112, %dma_wait3A_120, %dma_wait3A_121] : memref<8x32x128xf32, #tpu.memory_space<vmem>> -> memref<1x32x128xf32, #tpu.memory_space<vmem>>
    %dma_wait3A_123 = tpu.memref_squeeze %dma_wait3A_122 : memref<1x32x128xf32, #tpu.memory_space<vmem>> -> memref<32x128xf32, #tpu.memory_space<vmem>>
    %dma_wait3A_124 = arith.constant 0 : i32
    %dma_wait3A_125 = arith.constant 0 : i32
    %dma_wait3A_126 = tpu.memref_slice %arg3[%dma_wait3A_124, %dma_wait3A_125] : memref<32x1000000xf32, #tpu.memory_space<hbm>> -> memref<32x128xf32, #tpu.memory_space<hbm>>
    tpu.wait_dma2 semaphore(%arg10 : memref<!tpu.dma_semaphore, #tpu.memory_space<semaphore_mem>>) src(%dma_wait3A_126 : memref<32x128xf32, #tpu.memory_space<hbm>>) dst(%dma_wait3A_123 : memref<32x128xf32, #tpu.memory_space<vmem>>)
    %broadcast_in_dim3A = arith.constant 504 : i32
    %broadcast_in_dim3A_127 = vector.broadcast %broadcast_in_dim3A : i32 to vector<16xi32>
    %gather3A = tpu.vector_load_idx %arg5[%broadcast_in_dim3A_127] : memref<528xi32, #tpu.memory_space<vmem>>[vector<16xi32>], vector<16xi32>,
    %and3A = arith.constant 127 : i32
    %and3A_128 = vector.broadcast %and3A : i32 to vector<16xi32>
    %and3A_129 = arith.andi %gather3A, %and3A_128 : vector<16xi32>
    %broadcast_in_dim3A_130 = arith.constant 504 : i32
    %broadcast_in_dim3A_131 = vector.broadcast %broadcast_in_dim3A_130 : i32 to vector<16xi32>
    %broadcast_in_dim3A_132 = arith.constant 0 : i32
    %broadcast_in_dim3A_133 = vector.broadcast %broadcast_in_dim3A_132 : i32 to vector<16xi32>
    %add3A_134 = arith.constant 0 : i32
    %add3A_135 = vector.broadcast %add3A_134 : i32 to vector<16xi32>
    %add3A_136 = arith.addi %iota3A, %add3A_135 : vector<16xi32>
    %gather3A_137 = tpu.vector_load_idx %arg7[%broadcast_in_dim3A_133, %add3A_136, %and3A_129] : memref<8x32x128xf32, #tpu.memory_space<vmem>>[vector<16xi32>, vector<16xi32>, vector<16xi32>], vector<16xf32>,
    %add3A_138 = arith.constant 0 : i32
    %add3A_139 = vector.broadcast %add3A_138 : i32 to vector<16xi32>
    %add3A_140 = arith.addi %iota3A, %add3A_139 : vector<16xi32>
    tpu.vector_store_idx %arg8[%add3A_140, %broadcast_in_dim3A_131], %gather3A_137 : memref<32x512xf32, #tpu.memory_space<vmem>>[vector<16xi32>, vector<16xi32>], vector<16xf32>,
    %add3A_141 = arith.constant 16 : i32
    %add3A_142 = vector.broadcast %add3A_141 : i32 to vector<16xi32>
    %add3A_143 = arith.addi %iota3A, %add3A_142 : vector<16xi32>
    %gather3A_144 = tpu.vector_load_idx %arg7[%broadcast_in_dim3A_133, %add3A_143, %and3A_129] : memref<8x32x128xf32, #tpu.memory_space<vmem>>[vector<16xi32>, vector<16xi32>, vector<16xi32>], vector<16xf32>,
    %add3A_145 = arith.constant 16 : i32
    %add3A_146 = vector.broadcast %add3A_145 : i32 to vector<16xi32>
    %add3A_147 = arith.addi %iota3A, %add3A_146 : vector<16xi32>
    tpu.vector_store_idx %arg8[%add3A_147, %broadcast_in_dim3A_131], %gather3A_144 : memref<32x512xf32, #tpu.memory_space<vmem>>[vector<16xi32>, vector<16xi32>], vector<16xf32>,
    %broadcast_in_dim3A_148 = arith.constant 505 : i32
    %broadcast_in_dim3A_149 = vector.broadcast %broadcast_in_dim3A_148 : i32 to vector<16xi32>
    %gather3A_150 = tpu.vector_load_idx %arg5[%broadcast_in_dim3A_149] : memref<528xi32, #tpu.memory_space<vmem>>[vector<16xi32>], vector<16xi32>,
    %and3A_151 = arith.constant 127 : i32
    %and3A_152 = vector.broadcast %and3A_151 : i32 to vector<16xi32>
    %and3A_153 = arith.andi %gather3A_150, %and3A_152 : vector<16xi32>
    %broadcast_in_dim3A_154 = arith.constant 505 : i32
    %broadcast_in_dim3A_155 = vector.broadcast %broadcast_in_dim3A_154 : i32 to vector<16xi32>
    %broadcast_in_dim3A_156 = arith.constant 1 : i32
    %broadcast_in_dim3A_157 = vector.broadcast %broadcast_in_dim3A_156 : i32 to vector<16xi32>
    %add3A_158 = arith.constant 0 : i32
    %add3A_159 = vector.broadcast %add3A_158 : i32 to vector<16xi32>
    %add3A_160 = arith.addi %iota3A, %add3A_159 : vector<16xi32>
    %gather3A_161 = tpu.vector_load_idx %arg7[%broadcast_in_dim3A_157, %add3A_160, %and3A_153] : memref<8x32x128xf32, #tpu.memory_space<vmem>>[vector<16xi32>, vector<16xi32>, vector<16xi32>], vector<16xf32>,
    %add3A_162 = arith.constant 0 : i32
    %add3A_163 = vector.broadcast %add3A_162 : i32 to vector<16xi32>
    %add3A_164 = arith.addi %iota3A, %add3A_163 : vector<16xi32>
    tpu.vector_store_idx %arg8[%add3A_164, %broadcast_in_dim3A_155], %gather3A_161 : memref<32x512xf32, #tpu.memory_space<vmem>>[vector<16xi32>, vector<16xi32>], vector<16xf32>,
    %add3A_165 = arith.constant 16 : i32
    %add3A_166 = vector.broadcast %add3A_165 : i32 to vector<16xi32>
    %add3A_167 = arith.addi %iota3A, %add3A_166 : vector<16xi32>
    %gather3A_168 = tpu.vector_load_idx %arg7[%broadcast_in_dim3A_157, %add3A_167, %and3A_153] : memref<8x32x128xf32, #tpu.memory_space<vmem>>[vector<16xi32>, vector<16xi32>, vector<16xi32>], vector<16xf32>,
    %add3A_169 = arith.constant 16 : i32
    %add3A_170 = vector.broadcast %add3A_169 : i32 to vector<16xi32>
    %add3A_171 = arith.addi %iota3A, %add3A_170 : vector<16xi32>
    tpu.vector_store_idx %arg8[%add3A_171, %broadcast_in_dim3A_155], %gather3A_168 : memref<32x512xf32, #tpu.memory_space<vmem>>[vector<16xi32>, vector<16xi32>], vector<16xf32>,
    %broadcast_in_dim3A_172 = arith.constant 506 : i32
    %broadcast_in_dim3A_173 = vector.broadcast %broadcast_in_dim3A_172 : i32 to vector<16xi32>
    %gather3A_174 = tpu.vector_load_idx %arg5[%broadcast_in_dim3A_173] : memref<528xi32, #tpu.memory_space<vmem>>[vector<16xi32>], vector<16xi32>,
    %and3A_175 = arith.constant 127 : i32
    %and3A_176 = vector.broadcast %and3A_175 : i32 to vector<16xi32>
    %and3A_177 = arith.andi %gather3A_174, %and3A_176 : vector<16xi32>
    %broadcast_in_dim3A_178 = arith.constant 506 : i32
    %broadcast_in_dim3A_179 = vector.broadcast %broadcast_in_dim3A_178 : i32 to vector<16xi32>
    %broadcast_in_dim3A_180 = arith.constant 2 : i32
    %broadcast_in_dim3A_181 = vector.broadcast %broadcast_in_dim3A_180 : i32 to vector<16xi32>
    %add3A_182 = arith.constant 0 : i32
    %add3A_183 = vector.broadcast %add3A_182 : i32 to vector<16xi32>
    %add3A_184 = arith.addi %iota3A, %add3A_183 : vector<16xi32>
    %gather3A_185 = tpu.vector_load_idx %arg7[%broadcast_in_dim3A_181, %add3A_184, %and3A_177] : memref<8x32x128xf32, #tpu.memory_space<vmem>>[vector<16xi32>, vector<16xi32>, vector<16xi32>], vector<16xf32>,
    %add3A_186 = arith.constant 0 : i32
    %add3A_187 = vector.broadcast %add3A_186 : i32 to vector<16xi32>
    %add3A_188 = arith.addi %iota3A, %add3A_187 : vector<16xi32>
    tpu.vector_store_idx %arg8[%add3A_188, %broadcast_in_dim3A_179], %gather3A_185 : memref<32x512xf32, #tpu.memory_space<vmem>>[vector<16xi32>, vector<16xi32>], vector<16xf32>,
    %add3A_189 = arith.constant 16 : i32
    %add3A_190 = vector.broadcast %add3A_189 : i32 to vector<16xi32>
    %add3A_191 = arith.addi %iota3A, %add3A_190 : vector<16xi32>
    %gather3A_192 = tpu.vector_load_idx %arg7[%broadcast_in_dim3A_181, %add3A_191, %and3A_177] : memref<8x32x128xf32, #tpu.memory_space<vmem>>[vector<16xi32>, vector<16xi32>, vector<16xi32>], vector<16xf32>,
    %add3A_193 = arith.constant 16 : i32
    %add3A_194 = vector.broadcast %add3A_193 : i32 to vector<16xi32>
    %add3A_195 = arith.addi %iota3A, %add3A_194 : vector<16xi32>
    tpu.vector_store_idx %arg8[%add3A_195, %broadcast_in_dim3A_179], %gather3A_192 : memref<32x512xf32, #tpu.memory_space<vmem>>[vector<16xi32>, vector<16xi32>], vector<16xf32>,
    %broadcast_in_dim3A_196 = arith.constant 507 : i32
    %broadcast_in_dim3A_197 = vector.broadcast %broadcast_in_dim3A_196 : i32 to vector<16xi32>
    %gather3A_198 = tpu.vector_load_idx %arg5[%broadcast_in_dim3A_197] : memref<528xi32, #tpu.memory_space<vmem>>[vector<16xi32>], vector<16xi32>,
    %and3A_199 = arith.constant 127 : i32
    %and3A_200 = vector.broadcast %and3A_199 : i32 to vector<16xi32>
    %and3A_201 = arith.andi %gather3A_198, %and3A_200 : vector<16xi32>
    %broadcast_in_dim3A_202 = arith.constant 507 : i32
    %broadcast_in_dim3A_203 = vector.broadcast %broadcast_in_dim3A_202 : i32 to vector<16xi32>
    %broadcast_in_dim3A_204 = arith.constant 3 : i32
    %broadcast_in_dim3A_205 = vector.broadcast %broadcast_in_dim3A_204 : i32 to vector<16xi32>
    %add3A_206 = arith.constant 0 : i32
    %add3A_207 = vector.broadcast %add3A_206 : i32 to vector<16xi32>
    %add3A_208 = arith.addi %iota3A, %add3A_207 : vector<16xi32>
    %gather3A_209 = tpu.vector_load_idx %arg7[%broadcast_in_dim3A_205, %add3A_208, %and3A_201] : memref<8x32x128xf32, #tpu.memory_space<vmem>>[vector<16xi32>, vector<16xi32>, vector<16xi32>], vector<16xf32>,
    %add3A_210 = arith.constant 0 : i32
    %add3A_211 = vector.broadcast %add3A_210 : i32 to vector<16xi32>
    %add3A_212 = arith.addi %iota3A, %add3A_211 : vector<16xi32>
    tpu.vector_store_idx %arg8[%add3A_212, %broadcast_in_dim3A_203], %gather3A_209 : memref<32x512xf32, #tpu.memory_space<vmem>>[vector<16xi32>, vector<16xi32>], vector<16xf32>,
    %add3A_213 = arith.constant 16 : i32
    %add3A_214 = vector.broadcast %add3A_213 : i32 to vector<16xi32>
    %add3A_215 = arith.addi %iota3A, %add3A_214 : vector<16xi32>
    %gather3A_216 = tpu.vector_load_idx %arg7[%broadcast_in_dim3A_205, %add3A_215, %and3A_201] : memref<8x32x128xf32, #tpu.memory_space<vmem>>[vector<16xi32>, vector<16xi32>, vector<16xi32>], vector<16xf32>,
    %add3A_217 = arith.constant 16 : i32
    %add3A_218 = vector.broadcast %add3A_217 : i32 to vector<16xi32>
    %add3A_219 = arith.addi %iota3A, %add3A_218 : vector<16xi32>
    tpu.vector_store_idx %arg8[%add3A_219, %broadcast_in_dim3A_203], %gather3A_216 : memref<32x512xf32, #tpu.memory_space<vmem>>[vector<16xi32>, vector<16xi32>], vector<16xf32>,
    %broadcast_in_dim3A_220 = arith.constant 508 : i32
    %broadcast_in_dim3A_221 = vector.broadcast %broadcast_in_dim3A_220 : i32 to vector<16xi32>
    %gather3A_222 = tpu.vector_load_idx %arg5[%broadcast_in_dim3A_221] : memref<528xi32, #tpu.memory_space<vmem>>[vector<16xi32>], vector<16xi32>,
    %and3A_223 = arith.constant 127 : i32
    %and3A_224 = vector.broadcast %and3A_223 : i32 to vector<16xi32>
    %and3A_225 = arith.andi %gather3A_222, %and3A_224 : vector<16xi32>
    %broadcast_in_dim3A_226 = arith.constant 508 : i32
    %broadcast_in_dim3A_227 = vector.broadcast %broadcast_in_dim3A_226 : i32 to vector<16xi32>
    %broadcast_in_dim3A_228 = arith.constant 4 : i32
    %broadcast_in_dim3A_229 = vector.broadcast %broadcast_in_dim3A_228 : i32 to vector<16xi32>
    %add3A_230 = arith.constant 0 : i32
    %add3A_231 = vector.broadcast %add3A_230 : i32 to vector<16xi32>
    %add3A_232 = arith.addi %iota3A, %add3A_231 : vector<16xi32>
    %gather3A_233 = tpu.vector_load_idx %arg7[%broadcast_in_dim3A_229, %add3A_232, %and3A_225] : memref<8x32x128xf32, #tpu.memory_space<vmem>>[vector<16xi32>, vector<16xi32>, vector<16xi32>], vector<16xf32>,
    %add3A_234 = arith.constant 0 : i32
    %add3A_235 = vector.broadcast %add3A_234 : i32 to vector<16xi32>
    %add3A_236 = arith.addi %iota3A, %add3A_235 : vector<16xi32>
    tpu.vector_store_idx %arg8[%add3A_236, %broadcast_in_dim3A_227], %gather3A_233 : memref<32x512xf32, #tpu.memory_space<vmem>>[vector<16xi32>, vector<16xi32>], vector<16xf32>,
    %add3A_237 = arith.constant 16 : i32
    %add3A_238 = vector.broadcast %add3A_237 : i32 to vector<16xi32>
    %add3A_239 = arith.addi %iota3A, %add3A_238 : vector<16xi32>
    %gather3A_240 = tpu.vector_load_idx %arg7[%broadcast_in_dim3A_229, %add3A_239, %and3A_225] : memref<8x32x128xf32, #tpu.memory_space<vmem>>[vector<16xi32>, vector<16xi32>, vector<16xi32>], vector<16xf32>,
    %add3A_241 = arith.constant 16 : i32
    %add3A_242 = vector.broadcast %add3A_241 : i32 to vector<16xi32>
    %add3A_243 = arith.addi %iota3A, %add3A_242 : vector<16xi32>
    tpu.vector_store_idx %arg8[%add3A_243, %broadcast_in_dim3A_227], %gather3A_240 : memref<32x512xf32, #tpu.memory_space<vmem>>[vector<16xi32>, vector<16xi32>], vector<16xf32>,
    %broadcast_in_dim3A_244 = arith.constant 509 : i32
    %broadcast_in_dim3A_245 = vector.broadcast %broadcast_in_dim3A_244 : i32 to vector<16xi32>
    %gather3A_246 = tpu.vector_load_idx %arg5[%broadcast_in_dim3A_245] : memref<528xi32, #tpu.memory_space<vmem>>[vector<16xi32>], vector<16xi32>,
    %and3A_247 = arith.constant 127 : i32
    %and3A_248 = vector.broadcast %and3A_247 : i32 to vector<16xi32>
    %and3A_249 = arith.andi %gather3A_246, %and3A_248 : vector<16xi32>
    %broadcast_in_dim3A_250 = arith.constant 509 : i32
    %broadcast_in_dim3A_251 = vector.broadcast %broadcast_in_dim3A_250 : i32 to vector<16xi32>
    %broadcast_in_dim3A_252 = arith.constant 5 : i32
    %broadcast_in_dim3A_253 = vector.broadcast %broadcast_in_dim3A_252 : i32 to vector<16xi32>
    %add3A_254 = arith.constant 0 : i32
    %add3A_255 = vector.broadcast %add3A_254 : i32 to vector<16xi32>
    %add3A_256 = arith.addi %iota3A, %add3A_255 : vector<16xi32>
    %gather3A_257 = tpu.vector_load_idx %arg7[%broadcast_in_dim3A_253, %add3A_256, %and3A_249] : memref<8x32x128xf32, #tpu.memory_space<vmem>>[vector<16xi32>, vector<16xi32>, vector<16xi32>], vector<16xf32>,
    %add3A_258 = arith.constant 0 : i32
    %add3A_259 = vector.broadcast %add3A_258 : i32 to vector<16xi32>
    %add3A_260 = arith.addi %iota3A, %add3A_259 : vector<16xi32>
    tpu.vector_store_idx %arg8[%add3A_260, %broadcast_in_dim3A_251], %gather3A_257 : memref<32x512xf32, #tpu.memory_space<vmem>>[vector<16xi32>, vector<16xi32>], vector<16xf32>,
    %add3A_261 = arith.constant 16 : i32
    %add3A_262 = vector.broadcast %add3A_261 : i32 to vector<16xi32>
    %add3A_263 = arith.addi %iota3A, %add3A_262 : vector<16xi32>
    %gather3A_264 = tpu.vector_load_idx %arg7[%broadcast_in_dim3A_253, %add3A_263, %and3A_249] : memref<8x32x128xf32, #tpu.memory_space<vmem>>[vector<16xi32>, vector<16xi32>, vector<16xi32>], vector<16xf32>,
    %add3A_265 = arith.constant 16 : i32
    %add3A_266 = vector.broadcast %add3A_265 : i32 to vector<16xi32>
    %add3A_267 = arith.addi %iota3A, %add3A_266 : vector<16xi32>
    tpu.vector_store_idx %arg8[%add3A_267, %broadcast_in_dim3A_251], %gather3A_264 : memref<32x512xf32, #tpu.memory_space<vmem>>[vector<16xi32>, vector<16xi32>], vector<16xf32>,
    %broadcast_in_dim3A_268 = arith.constant 510 : i32
    %broadcast_in_dim3A_269 = vector.broadcast %broadcast_in_dim3A_268 : i32 to vector<16xi32>
    %gather3A_270 = tpu.vector_load_idx %arg5[%broadcast_in_dim3A_269] : memref<528xi32, #tpu.memory_space<vmem>>[vector<16xi32>], vector<16xi32>,
    %and3A_271 = arith.constant 127 : i32
    %and3A_272 = vector.broadcast %and3A_271 : i32 to vector<16xi32>
    %and3A_273 = arith.andi %gather3A_270, %and3A_272 : vector<16xi32>
    %broadcast_in_dim3A_274 = arith.constant 510 : i32
    %broadcast_in_dim3A_275 = vector.broadcast %broadcast_in_dim3A_274 : i32 to vector<16xi32>
    %broadcast_in_dim3A_276 = arith.constant 6 : i32
    %broadcast_in_dim3A_277 = vector.broadcast %broadcast_in_dim3A_276 : i32 to vector<16xi32>
    %add3A_278 = arith.constant 0 : i32
    %add3A_279 = vector.broadcast %add3A_278 : i32 to vector<16xi32>
    %add3A_280 = arith.addi %iota3A, %add3A_279 : vector<16xi32>
    %gather3A_281 = tpu.vector_load_idx %arg7[%broadcast_in_dim3A_277, %add3A_280, %and3A_273] : memref<8x32x128xf32, #tpu.memory_space<vmem>>[vector<16xi32>, vector<16xi32>, vector<16xi32>], vector<16xf32>,
    %add3A_282 = arith.constant 0 : i32
    %add3A_283 = vector.broadcast %add3A_282 : i32 to vector<16xi32>
    %add3A_284 = arith.addi %iota3A, %add3A_283 : vector<16xi32>
    tpu.vector_store_idx %arg8[%add3A_284, %broadcast_in_dim3A_275], %gather3A_281 : memref<32x512xf32, #tpu.memory_space<vmem>>[vector<16xi32>, vector<16xi32>], vector<16xf32>,
    %add3A_285 = arith.constant 16 : i32
    %add3A_286 = vector.broadcast %add3A_285 : i32 to vector<16xi32>
    %add3A_287 = arith.addi %iota3A, %add3A_286 : vector<16xi32>
    %gather3A_288 = tpu.vector_load_idx %arg7[%broadcast_in_dim3A_277, %add3A_287, %and3A_273] : memref<8x32x128xf32, #tpu.memory_space<vmem>>[vector<16xi32>, vector<16xi32>, vector<16xi32>], vector<16xf32>,
    %add3A_289 = arith.constant 16 : i32
    %add3A_290 = vector.broadcast %add3A_289 : i32 to vector<16xi32>
    %add3A_291 = arith.addi %iota3A, %add3A_290 : vector<16xi32>
    tpu.vector_store_idx %arg8[%add3A_291, %broadcast_in_dim3A_275], %gather3A_288 : memref<32x512xf32, #tpu.memory_space<vmem>>[vector<16xi32>, vector<16xi32>], vector<16xf32>,
    %broadcast_in_dim3A_292 = arith.constant 511 : i32
    %broadcast_in_dim3A_293 = vector.broadcast %broadcast_in_dim3A_292 : i32 to vector<16xi32>
    %gather3A_294 = tpu.vector_load_idx %arg5[%broadcast_in_dim3A_293] : memref<528xi32, #tpu.memory_space<vmem>>[vector<16xi32>], vector<16xi32>,
    %and3A_295 = arith.constant 127 : i32
    %and3A_296 = vector.broadcast %and3A_295 : i32 to vector<16xi32>
    %and3A_297 = arith.andi %gather3A_294, %and3A_296 : vector<16xi32>
    %broadcast_in_dim3A_298 = arith.constant 511 : i32
    %broadcast_in_dim3A_299 = vector.broadcast %broadcast_in_dim3A_298 : i32 to vector<16xi32>
    %broadcast_in_dim3A_300 = arith.constant 7 : i32
    %broadcast_in_dim3A_301 = vector.broadcast %broadcast_in_dim3A_300 : i32 to vector<16xi32>
    %add3A_302 = arith.constant 0 : i32
    %add3A_303 = vector.broadcast %add3A_302 : i32 to vector<16xi32>
    %add3A_304 = arith.addi %iota3A, %add3A_303 : vector<16xi32>
    %gather3A_305 = tpu.vector_load_idx %arg7[%broadcast_in_dim3A_301, %add3A_304, %and3A_297] : memref<8x32x128xf32, #tpu.memory_space<vmem>>[vector<16xi32>, vector<16xi32>, vector<16xi32>], vector<16xf32>,
    %add3A_306 = arith.constant 0 : i32
    %add3A_307 = vector.broadcast %add3A_306 : i32 to vector<16xi32>
    %add3A_308 = arith.addi %iota3A, %add3A_307 : vector<16xi32>
    tpu.vector_store_idx %arg8[%add3A_308, %broadcast_in_dim3A_299], %gather3A_305 : memref<32x512xf32, #tpu.memory_space<vmem>>[vector<16xi32>, vector<16xi32>], vector<16xf32>,
    %add3A_309 = arith.constant 16 : i32
    %add3A_310 = vector.broadcast %add3A_309 : i32 to vector<16xi32>
    %add3A_311 = arith.addi %iota3A, %add3A_310 : vector<16xi32>
    %gather3A_312 = tpu.vector_load_idx %arg7[%broadcast_in_dim3A_301, %add3A_311, %and3A_297] : memref<8x32x128xf32, #tpu.memory_space<vmem>>[vector<16xi32>, vector<16xi32>, vector<16xi32>], vector<16xf32>,
    %add3A_313 = arith.constant 16 : i32
    %add3A_314 = vector.broadcast %add3A_313 : i32 to vector<16xi32>
    %add3A_315 = arith.addi %iota3A, %add3A_314 : vector<16xi32>
    tpu.vector_store_idx %arg8[%add3A_315, %broadcast_in_dim3A_299], %gather3A_312 : memref<32x512xf32, #tpu.memory_space<vmem>>[vector<16xi32>, vector<16xi32>], vector<16xf32>,
    "tpu.region"() ({
      %run_scoped3A = tpu.sem_alloc : memref<!tpu.dma_semaphore, #tpu.memory_space<semaphore_mem>>
      %dma_start3A = arith.constant 0 : i32
      %dma_start3A_316 = tpu.memref_slice %arg4[%dma_start3A, %mul3A_2] : memref<32x16384xf32, #tpu.memory_space<hbm>> -> memref<32x512xf32, #tpu.memory_space<hbm>>
      %dma_start3A_317 = arith.constant 0 : i32
      %dma_start3A_318 = tpu.memref_slice %arg4[%dma_start3A_317, %mul3A_2] : memref<32x16384xf32, #tpu.memory_space<hbm>> -> memref<32x512xf32, #tpu.memory_space<hbm>>
      tpu.enqueue_dma source(%arg8 : memref<32x512xf32, #tpu.memory_space<vmem>>) target(%dma_start3A_318 : memref<32x512xf32, #tpu.memory_space<hbm>>) target_semaphore(%run_scoped3A : memref<!tpu.dma_semaphore, #tpu.memory_space<semaphore_mem>>)
      %dma_wait3A_319 = arith.constant 0 : i32
      %dma_wait3A_320 = tpu.memref_slice %arg4[%dma_wait3A_319, %mul3A_2] : memref<32x16384xf32, #tpu.memory_space<hbm>> -> memref<32x512xf32, #tpu.memory_space<hbm>>
      %dma_wait3A_321 = arith.constant 0 : i32
      %dma_wait3A_322 = tpu.memref_slice %arg4[%dma_wait3A_321, %mul3A_2] : memref<32x16384xf32, #tpu.memory_space<hbm>> -> memref<32x512xf32, #tpu.memory_space<hbm>>
      tpu.wait_dma2 semaphore(%run_scoped3A : memref<!tpu.dma_semaphore, #tpu.memory_space<semaphore_mem>>) src(%arg8 : memref<32x512xf32, #tpu.memory_space<vmem>>) dst(%dma_wait3A_322 : memref<32x512xf32, #tpu.memory_space<hbm>>)
      tpu.yield
    }) : () -> ()
    return
  }
}

</mosaic_0001>

<sc_bundles>
// kernel: kernel.3.cloned.1.call-start
scs
__scs_entry_jumppad:
0x0: {  	(pc) =	sbr.rel $0x88, $3  }
0x1: {  	(tag) =	ssettag $0x0;
	lr =	simm.s32 $0x1  }
0x2: {  	[smem:$0x3F9F] =	sst lr;
	_ =	strace $0xD0000000  }
0x3: {  	_ = 	snop  }
0x4: {  	_ = 	snop  }
0x5: {  	_ = 	snop  }
0x6: {  	_ = 	snop  }
0x7: {  	_ = 	snop  }
__scs_overlays_trampoline_lowered:
0x8: {  	[smem:$0x3FAE] =	sst s0  }
0x9: {  	[smem:$0x3FAF] =	sst s1  }
0xa: {  	[smem:$0x3FB0] =	sst s2  }
0xb: {  	[smem:$0x3FB1] =	sst s3  }
0xc: {  	[smem:$0x3FB2] =	sst s4  }
0xd: {  	[smem:$0x3FB3] =	sst s5  }
0xe: {  	[smem:$0x3FB4] =	sst s6  }
0xf: {  	[smem:$0x3FB5] =	sst s7  }
0x10: {  	[smem:$0x3FB6] =	sst s8  }
0x11: {  	[smem:$0x3FB7] =	sst s9;
	s0 =	simm.s32 @!p0 $0x0  }
0x12: {  	s1 =	sld [smem:$0x3F9D];
	s0 =	simm.s32 @p0 $0x1  }
0x13: {  	[smem:$0x3FB8] =	sst s0;
	s0 =	simm.s32 @!p1 $0x0  }
0x14: {  	s2 =	sld [smem:$0x3F9C];
	s0 =	simm.s32 @p1 $0x1  }
0x15: {  	[smem:$0x3FB9] =	sst s0;
	s0 =	simm.s32 @!p2 $0x0  }
0x16: {  	s3 =	sld [smem:$0x3FDB];
	s0 =	simm.s32 @p2 $0x1  }
0x17: {  	s4 =	simm.s32 $0x1BF5;
	[smem:$0x3FBB] =	sst s0  }
0x18: {  	s0 =	sld [smem:$0x3F9E];
	_ =	swait.ge [sflag:s4], $0x0  }
0x19: {  	s7 =	sld [smem:$0x3F9F]  }
0x1a: {  	s8 =	sadd.s32 $0xFFFFE003, lr  }
0x1b: {  	s9 =	sadd.s32 $0xFFFFFEF7, lr;
	s5 =	simm.s32 $0xFFFFFFFF;
	p2 =	slt.u32 s8, $0xFFFFF086  }
0x1c: {  	p1 =	slt.u32 s9, $0xF7A;
	s5 =	simm.s32 @!p2 $0x0  }
0x1d: {  	s5 =	simm.s32 @p1 $0x1;
	p0 =	seq.s32 s7, s2  }
0x1e: {  	s7 =	smul.u32 @!p0 $0xF7A, s2;
	p2 =	seq.s32 @!p0 s5, $0x0  }
0x1f: {  	s9 =	smul.u32 $0xF7A, s1;
	s8 =	simm.s32 @!p0 $0x1BF5;
	p2 =	por !p2, p0  }
0x20: {  	[sflag:s8] =	ssyncset.s32 @!p0 $0xFFFFF086;
	s6 =	sadd.s32 @!p0 s3, s7;
	s7 =	simm.s32 @!p0 $0x108  }
0x21: {  	s3 =	sadd.s32 s3, s9;
	s6 =	sadd.s32 @!p0 $0x88, s6;
	s7 =	simm.s32 @p2 $0x1082  }
0x22: {  	[simem:s7], [sflag:s8] =	dma.local @!p0 [hbm:s6], $0xF7A  }
0x23: {  	s9 =	sor.u32 $0xD0000000, s2;
	s6 =	simm.s32 $0x108;
	_ =	swait.ge @!p0 [sflag:s8], $0x0  }
0x24: {  	s3 =	sadd.s32 $0x88, s3;
	s6 =	simm.s32 @!p1 $0x1082;
	[sflag:s4] =	ssyncset.s32 $0xFFFFF086  }
0x25: {  	[simem:s6], [sflag:s4] =	dma.local [hbm:s3], $0xF7A  }
0x26: {  	[smem:$0x3F9F] =	sst s1;
	(tag) =	ssettag s2;
	_ =	strace s9  }
0x27: {  	s1 =	sld [smem:$0x3FAF]  }
0x28: {  	s2 =	sld [smem:$0x3FB0]  }
0x29: {  	s4 =	sld [smem:$0x3FB2]  }
0x2a: {  	p0 =	seq.s32 s5, $0x0;
	s5 =	sld [smem:$0x3FB3]  }
0x2b: {  	s6 =	sld [smem:$0x3FB4]  }
0x2c: {  	s7 =	sld [smem:$0x3FB5]  }
0x2d: {  	s3 =	simm.s32 $0x108;
	s8 =	sld [smem:$0x3FB6]  }
0x2e: {  	s3 =	simm.s32 @!p0 $0x1082;
	s9 =	sld [smem:$0x3FB7]  }
0x2f: {  	lr =	sadd.s32 s0, s3;
	s0 =	sld [smem:$0x3FAE]  }
0x30: {  	s3 =	sld [smem:$0x3FB1]  }
0x31: {  	[smem:$0x3FBA] =	sst s10  }
0x32: {  	s10 =	sld [smem:$0x3FB8];
	_ =	sdelay $0x3  }
0x33: {  	p0 =	seq.s32 s10, $0x1;
	s10 =	sld [smem:$0x3FBA];
	_ =	sdelay $0x3  }
0x34: {  	[smem:$0x3FBA] =	sst s10  }
0x35: {  	s10 =	sld [smem:$0x3FB9];
	_ =	sdelay $0x3  }
0x36: {  	p1 =	seq.s32 s10, $0x1;
	s10 =	sld [smem:$0x3FBA];
	_ =	sdelay $0x3  }
0x37: {  	[smem:$0x3FBA] =	sst s10  }
0x38: {  	s10 =	sld [smem:$0x3FBB]  }
0x39: {  	_ = 	snop;
	(pc) =	sbr.ind lr, $3  }
0x3a: {  	_ = 	snop  }
0x3b: {  	_ = 	snop  }
0x3c: {  	p2 =	seq.s32 s10, $0x1;
	s10 =	sld [smem:$0x3FBA]  }
0x3d: {  	_ =	shalt  }
0x3e: {  	_ =	shalt  }
0x3f: {  	_ =	shalt  }
0x40: {  	_ =	shalt  }
0x41: {  	_ =	shalt  }
0x42: {  	_ =	shalt  }
0x43: {  	_ =	shalt  }
0x44: {  	_ =	shalt  }
0x45: {  	_ =	shalt  }
0x46: {  	_ =	shalt  }
0x47: {  	_ =	shalt  }
0x48: {  	_ =	shalt  }
0x49: {  	_ =	shalt  }
0x4a: {  	_ =	shalt  }
0x4b: {  	_ =	shalt  }
0x4c: {  	_ =	shalt  }
0x4d: {  	_ =	shalt  }
0x4e: {  	_ =	shalt  }
0x4f: {  	_ =	shalt  }
0x50: {  	_ =	shalt  }
0x51: {  	_ =	shalt  }
0x52: {  	_ =	shalt  }
0x53: {  	_ =	shalt  }
0x54: {  	_ =	shalt  }
0x55: {  	_ =	shalt  }
0x56: {  	_ =	shalt  }
0x57: {  	_ =	shalt  }
0x58: {  	_ =	shalt  }
0x59: {  	_ =	shalt  }
0x5a: {  	_ =	shalt  }
0x5b: {  	_ =	shalt  }
0x5c: {  	_ =	shalt  }
0x5d: {  	_ =	shalt  }
0x5e: {  	_ =	shalt  }
0x5f: {  	_ =	shalt  }
0x60: {  	_ =	shalt  }
0x61: {  	_ =	shalt  }
0x62: {  	_ =	shalt  }
0x63: {  	_ =	shalt  }
0x64: {  	_ =	shalt  }
0x65: {  	_ =	shalt  }
0x66: {  	_ =	shalt  }
0x67: {  	_ =	shalt  }
0x68: {  	_ =	shalt  }
0x69: {  	_ =	shalt  }
0x6a: {  	_ =	shalt  }
0x6b: {  	_ =	shalt  }
0x6c: {  	_ =	shalt  }
0x6d: {  	_ =	shalt  }
0x6e: {  	_ =	shalt  }
0x6f: {  	_ =	shalt  }
0x70: {  	_ =	shalt  }
0x71: {  	_ =	shalt  }
0x72: {  	_ =	shalt  }
0x73: {  	_ =	shalt  }
0x74: {  	_ =	shalt  }
0x75: {  	_ =	shalt  }
0x76: {  	_ =	shalt  }
0x77: {  	_ =	shalt  }
0x78: {  	_ =	shalt  }
0x79: {  	_ =	shalt  }
0x7a: {  	_ =	shalt  }
0x7b: {  	_ =	shalt  }
0x7c: {  	_ =	shalt  }
0x7d: {  	_ =	shalt  }
0x7e: {  	_ =	shalt  }
0x7f: {  	_ =	shalt  }
0x80: {  	_ =	shalt  }
0x81: {  	_ =	shalt  }
0x82: {  	_ =	shalt  }
0x83: {  	_ =	shalt  }
0x84: {  	_ =	shalt  }
0x85: {  	_ =	shalt  }
0x86: {  	_ =	shalt  }
0x87: {  	_ =	shalt  }
.Lfunc_end0:
.L_simem_size_0:
called_computation_lowered:
.L_overlay_start_0:
0x88: {  	s2 =	sld [smem:$0x3FD9]  }
0x89: {  	s3 =	sld [smem:$0x3FFE];
	_ =	sdelay $0x1  }
0x8a: {  	s1 =	srdreg.scid  }
0x8b: {  	s0 =	sand.u32 $0x1, s1  }
0x8c: {  	s18 =	sshll.u32 s0, $0xA;
	s2 =	sadd.s32 s3, s2  }
0x8d: {  	s2 =	sadd.s32 s2, s18  }
0x8e: {  	[smem:$0x3FC6] =	sst s2  }
0x8f: {  	_ = 	snop  }
0x90: {  	s2 =	sld [smem:$0x3FC9]  }
0x91: {  	s19 =	sld [smem:$0x3FC8]  }
0x92: {  	s4 =	sld [smem:$0x3FD0];
	(tm) =	ssettm $0x1  }
0x93: {  	s5 =	sld [smem:$0x3FFB];
	_ =	sdelay $0x3  }
0x94: {  	_ =	strace s5  }
0x95: {  	s5 =	sld [smem:$0x3FFC];
	_ =	sdelay $0x3  }
0x96: {  	_ =	strace s5  }
0x97: {  	s5 =	sld [smem:$0x3FFD];
	_ =	sdelay $0x3  }
0x98: {  	_ =	strace s5  }
0x99: {  	_ =	strace $0x8FFFFFFF  }
0x9a: {  	s20 =	sld [smem:$0x3FDB];
	_ =	sdelay $0x1  }
0x9b: {  	s6 =	simm.s32 $_scs_section_size  }
0x9c: {  	s7 =	simm.s32 $_size__tile_overlayer_lowered;
	s8 =	simm.s32 $_tile_overlayer_lowered  }
0x9d: {  	s23 =	simm.s32 $0x1BFF;
	s22 =	sshll.u32 s8, $0x1;
	s5 =	sadd.s32 s6, s20  }
0x9e: {  	s9 =	simm.s32 $0x0;
	s21 =	sshll.u32 s7, $0x1;
	s7 =	sadd.s32 s22, s5  }
0x9f: {  	[timem:s9], [sflag:s23] =	dma.local [hbm:s7], s21  }
0xa0: {  	_ =	swait.ge [sflag:s23], s21  }
0xa1: {  	s6 =	ssub.s32 $0x0, s21;
	[sflag:s23] =	ssyncset.done $0x0  }
0xa2: {  	[sflag:s23] =	ssyncadd.s32 s6;
	_ =	sdelay $0x1  }
0xa3: {  	s24 =	simm.s32 $0x1B8B  }
0xa4: {  	_ =	swait.ge [sflag:s24], $0x1  }
0xa5: {  	[sflag:s24] =	ssyncset.done $0x0  }
0xa6: {  	s25 =	simm.s32 $0x1B8E;
	[sflag:s24] =	ssyncadd.s32 $0xFFFFFFFF  }
0xa7: {  	s26 =	simm.s32 $execute0_lowered;
	[smem:$0x3FD2] =	sst s25  }
0xa8: {  	s6 =	sshll.u32 s26, $0x1;
	_ =	strace $0x80000046;
	[dreg:$0x1] =	wrdreg $0xFFFFFFFF  }
0xa9: {  	s28 =	simm.s32 $_size_execute0_lowered;
	s5 =	sadd.s32 s5, s6;
	[dreg:$0x0] =	wrdreg $0x0  }
0xaa: {  	s6 =	sshll.u32 s28, $0x1;
	[dreg:$0x2] =	wrdreg s5  }
0xab: {  	[dreg:$0x3] =	wrdreg s6  }
0xac: {  	[dreg:$0x4] =	wrdreg $0xC0  }
0xad: {  	_ =	task [dreg:s9], $0x5FFFF  }
0xae: {  	[dreg:$0x1] =	wrdreg $0xFFFFFFFF  }
0xaf: {  	[dreg:$0x0] =	wrdreg $0x60  }
0xb0: {  	[dreg:$0x2] =	wrdreg s2  }
0xb1: {  	[dreg:$0x3] =	wrdreg s19  }
0xb2: {  	[dreg:$0x4] =	wrdreg s4  }
0xb3: {  	[dreg:$0x5] =	wrdreg $0x9  }
0xb4: {  	_ =	task.clear_ibuf [dreg:s9], $0x6FFFF;
	_ =	strace $0x90000046  }
0xb5: {  	s29 =	simm.s32 $0x9;
	_ =	strace $0x80000048  }
0xb6: {  	_ =	swait.ge [sflag:s29], $0x1  }
0xb7: {  	[sflag:s29] =	ssyncadd.s32 $0xFFFFFFFF  }
0xb8: {  	_ =	strace $0x90000048  }
0xb9: {  	_ =	sfence  }
0xba: {  	s30 =	sld [smem:$0x0];
	_ =	sdelay $0x2  }
0xbb: {  	s31 =	sshll.u32 s1, $0xD;
	s1 =	sshrl.u32 s1, $0x2  }
0xbc: {  	s3 =	sand.u32 $0x4000, s31;
	s1 =	sadd.s32 s1, s30  }
0xbd: {  	s0 =	sor.u32 s3, s0;
	s1 =	sshll.u32 s1, $0x11  }
0xbe: {  	s0 =	sor.u32 s1, s0  }
0xbf: {  	s0 =	sadd.s32 $0x8F2B, s0  }
0xc0: {  	[sflag:s0] =	ssyncadd.remote.s32 $0x1  }
0xc1: {  	_ =	sfence.sel $0xFFFF  }
0xc2: {  	[dreg:$0x0] =	wrdreg $0xFFFFFFFF;
	(pc) =	sbr.abs _section_cstart, $3  }
0xc3: {  	[dreg:$0x1] =	wrdreg $0xFFFFFFFF  }
0xc4: {  	_ =	task.clear_ibuf [dreg:s9], $0x2FFFF;
	_ =	strace $0x9FFFFFFF  }
0xc5: {  	(tm) =	ssettm $0x7FFFFFFF  }
tec
execute0_lowered:
.L_overlay_start_1:
0x0: {  	(tag) =	ssettag $0x1  }
0x1: {  	v0 =	vimm.s32 $0x1380  }
0x2: {  	vm14 =	vcmask $0x300;
	vm13 =	vcmask $0x704;
	v1 =	vlaneseq.u32  }
0x3: {  	vm12 =	vcmask $0xB08;
	vm11 =	vcmask $0xF0C;
	vm10 =	vcmask $0x1310  }
0x4: {  	vm9 =	vcmask $0x1714;
	vm8 =	vcmask $0x1B18;
	vm7 =	vcmask $0x1F1C  }
0x5: {  	vm6 =	vcmask $0x2320;
	vm5 =	vcmask $0x2724;
	vm4 =	vcmask $0x2B28  }
0x6: {  	vm1 =	vcmask $0x2F2C;
	v3 =	vimm.s32 $0x1FF8;
	vm0 =	vcmask $0x3330  }
0x7: {  	vm2 =	vcmask $0x3734;
	vm3 =	vcmask $0x3B38;
	v20 =	vimm.s32 $0x3FF8  }
0x8: {  	v21 =	vimm.s32 $0x1FF9;
	v22 =	vimm.s32 $0x3FF9;
	v25 =	vimm.s32 $0x1FFA  }
0x9: {  	v26 =	vimm.s32 $0x3FFA;
	v27 =	vimm.s32 $0x1FFB;
	v29 =	vimm.s32 $0x3FFB  }
0xa: {  	v30 =	vimm.s32 $0x1FFC;
	v31 =	vimm.s32 $0x3FFC;
	v34 =	vimm.s32 $0x1FFD  }
0xb: {  	v35 =	vimm.s32 $0x3FFD;
	v36 =	vimm.s32 $0x1FFE;
	v38 =	vimm.s32 $0x3FFE  }
0xc: {  	v39 =	vimm.s32 $0x1FFF;
	v40 =	vimm.s32 $0x3FFF;
	v0 =	vsel vm14, $0x0, v0  }
0xd: {  	v3 =	vsel vm14, $0xC78, v3;
	v20 =	vsel vm14, $0x2C78, v20;
	v21 =	vsel vm14, $0xC79, v21  }
0xe: {  	v22 =	vsel vm14, $0x2C79, v22;
	v25 =	vsel vm14, $0xC7A, v25;
	v26 =	vsel vm14, $0x2C7A, v26  }
0xf: {  	v27 =	vsel vm14, $0xC7B, v27;
	v29 =	vsel vm14, $0x2C7B, v29;
	v30 =	vsel vm14, $0xC7C, v30  }
0x10: {  	v31 =	vsel vm14, $0x2C7C, v31;
	v34 =	vsel vm14, $0xC7D, v34;
	v35 =	vsel vm14, $0x2C7D, v35  }
0x11: {  	v36 =	vsel vm14, $0xC7E, v36;
	v38 =	vsel vm14, $0x2C7E, v38;
	v39 =	vsel vm14, $0xC7F, v39  }
0x12: {  	v40 =	vsel vm14, $0x2C7F, v40;
	v2 =	vsel vm13, $0x80, v0;
	v0 =	vmul.u32 $0x80, v1  }
0x13: {  	v3 =	vsel vm13, $0xCF8, v3;
	v20 =	vsel vm13, $0x2CF8, v20;
	v21 =	vsel vm13, $0xCF9, v21  }
0x14: {  	v22 =	vsel vm13, $0x2CF9, v22;
	v25 =	vsel vm13, $0xCFA, v25;
	v26 =	vsel vm13, $0x2CFA, v26  }
0x15: {  	v27 =	vsel vm13, $0xCFB, v27;
	v29 =	vsel vm13, $0x2CFB, v29;
	v30 =	vsel vm13, $0xCFC, v30  }
0x16: {  	v31 =	vsel vm13, $0x2CFC, v31;
	v34 =	vsel vm13, $0xCFD, v34;
	v35 =	vsel vm13, $0x2CFD, v35  }
0x17: {  	v36 =	vsel vm13, $0xCFE, v36;
	v38 =	vsel vm13, $0x2CFE, v38;
	v39 =	vsel vm13, $0xCFF, v39  }
0x18: {  	v40 =	vsel vm13, $0x2CFF, v40;
	v1 =	vsel vm12, $0x100, v2;
	v2 =	vimm.s32 $0x3380  }
0x19: {  	v3 =	vsel vm12, $0xD78, v3;
	v20 =	vsel vm12, $0x2D78, v20;
	v21 =	vsel vm12, $0xD79, v21  }
0x1a: {  	v22 =	vsel vm12, $0x2D79, v22;
	v25 =	vsel vm12, $0xD7A, v25;
	v26 =	vsel vm12, $0x2D7A, v26  }
0x1b: {  	v27 =	vsel vm12, $0xD7B, v27;
	v29 =	vsel vm12, $0x2D7B, v29;
	v30 =	vsel vm12, $0xD7C, v30  }
0x1c: {  	v31 =	vsel vm12, $0x2D7C, v31;
	v34 =	vsel vm12, $0xD7D, v34;
	v35 =	vsel vm12, $0x2D7D, v35  }
0x1d: {  	v36 =	vsel vm12, $0xD7E, v36;
	v38 =	vsel vm12, $0x2D7E, v38;
	v39 =	vsel vm12, $0xD7F, v39  }
0x1e: {  	v40 =	vsel vm12, $0x2D7F, v40;
	v1 =	vsel vm11, $0x180, v1;
	v2 =	vsel vm14, $0x2000, v2  }
0x1f: {  	v3 =	vsel vm11, $0xDF8, v3;
	v7 =	vor.u32 $0x2800, v0;
	v9 =	vor.u32 $0x3800, v0  }
0x20: {  	v11 =	vor.u32 $0x4800, v0;
	v13 =	vor.u32 $0x5800, v0;
	v15 =	vor.u32 $0x6800, v0  }
0x21: {  	v17 =	vor.u32 $0x7800, v0;
	v20 =	vsel vm11, $0x2DF8, v20;
	v21 =	vsel vm11, $0xDF9, v21  }
0x22: {  	v22 =	vsel vm11, $0x2DF9, v22;
	v25 =	vsel vm11, $0xDFA, v25;
	v26 =	vsel vm11, $0x2DFA, v26  }
0x23: {  	v27 =	vsel vm11, $0xDFB, v27;
	v29 =	vsel vm11, $0x2DFB, v29;
	v30 =	vsel vm11, $0xDFC, v30  }
0x24: {  	v31 =	vsel vm11, $0x2DFC, v31;
	v34 =	vsel vm11, $0xDFD, v34;
	v35 =	vsel vm11, $0x2DFD, v35  }
0x25: {  	v36 =	vsel vm11, $0xDFE, v36;
	v38 =	vsel vm11, $0x2DFE, v38;
	v39 =	vsel vm11, $0xDFF, v39  }
0x26: {  	v40 =	vsel vm11, $0x2DFF, v40;
	v1 =	vsel vm10, $0x200, v1;
	v2 =	vsel vm13, $0x2080, v2  }
0x27: {  	v3 =	vsel vm10, $0xE78, v3;
	v20 =	vsel vm10, $0x2E78, v20;
	v21 =	vsel vm10, $0xE79, v21  }
0x28: {  	v22 =	vsel vm10, $0x2E79, v22;
	v25 =	vsel vm10, $0xE7A, v25;
	v26 =	vsel vm10, $0x2E7A, v26  }
0x29: {  	v27 =	vsel vm10, $0xE7B, v27;
	v29 =	vsel vm10, $0x2E7B, v29;
	v30 =	vsel vm10, $0xE7C, v30  }
0x2a: {  	v31 =	vsel vm10, $0x2E7C, v31;
	v34 =	vsel vm10, $0xE7D, v34;
	v35 =	vsel vm10, $0x2E7D, v35  }
0x2b: {  	v36 =	vsel vm10, $0xE7E, v36;
	v38 =	vsel vm10, $0x2E7E, v38;
	v39 =	vsel vm10, $0xE7F, v39  }
0x2c: {  	v40 =	vsel vm10, $0x2E7F, v40;
	v1 =	vsel vm9, $0x280, v1;
	v2 =	vsel vm12, $0x2100, v2  }
0x2d: {  	v5 =	vsel vm9, $0xEF8, v3;
	v20 =	vsel vm9, $0x2EF8, v20;
	v21 =	vsel vm9, $0xEF9, v21  }
0x2e: {  	v22 =	vsel vm9, $0x2EF9, v22;
	v25 =	vsel vm9, $0xEFA, v25;
	v26 =	vsel vm9, $0x2EFA, v26  }
0x2f: {  	v27 =	vsel vm9, $0xEFB, v27;
	v29 =	vsel vm9, $0x2EFB, v29;
	v30 =	vsel vm9, $0xEFC, v30  }
0x30: {  	v31 =	vsel vm9, $0x2EFC, v31;
	v34 =	vsel vm9, $0xEFD, v34;
	v35 =	vsel vm9, $0x2EFD, v35  }
0x31: {  	v36 =	vsel vm9, $0xEFE, v36;
	v38 =	vsel vm9, $0x2EFE, v38;
	v39 =	vsel vm9, $0xEFF, v39  }
0x32: {  	v40 =	vsel vm9, $0x2EFF, v40;
	v1 =	vsel vm8, $0x300, v1;
	v2 =	vsel vm11, $0x2180, v2  }
0x33: {  	v6 =	vsel vm8, $0xF78, v5;
	v5 =	vor.u32 $0x1800, v0;
	v20 =	vsel vm8, $0x2F78, v20  }
0x34: {  	v21 =	vsel vm8, $0xF79, v21;
	v22 =	vsel vm8, $0x2F79, v22;
	v25 =	vsel vm8, $0xF7A, v25  }
0x35: {  	v26 =	vsel vm8, $0x2F7A, v26;
	v27 =	vsel vm8, $0xF7B, v27;
	v29 =	vsel vm8, $0x2F7B, v29  }
0x36: {  	v30 =	vsel vm8, $0xF7C, v30;
	v31 =	vsel vm8, $0x2F7C, v31;
	v34 =	vsel vm8, $0xF7D, v34  }
0x37: {  	v35 =	vsel vm8, $0x2F7D, v35;
	v36 =	vsel vm8, $0xF7E, v36;
	v38 =	vsel vm8, $0x2F7E, v38  }
0x38: {  	v39 =	vsel vm8, $0xF7F, v39;
	v40 =	vsel vm8, $0x2F7F, v40;
	v1 =	vsel vm7, $0x380, v1  }
0x39: {  	v2 =	vsel vm10, $0x2200, v2;
	v8 =	vsel vm7, $0xFF8, v6;
	v6 =	vor.u32 $0x2000, v0  }
0x3a: {  	v20 =	vsel vm7, $0x2FF8, v20;
	v21 =	vsel vm7, $0xFF9, v21;
	v22 =	vsel vm7, $0x2FF9, v22  }
0x3b: {  	v25 =	vsel vm7, $0xFFA, v25;
	v26 =	vsel vm7, $0x2FFA, v26;
	v27 =	vsel vm7, $0xFFB, v27  }
0x3c: {  	v29 =	vsel vm7, $0x2FFB, v29;
	v30 =	vsel vm7, $0xFFC, v30;
	v31 =	vsel vm7, $0x2FFC, v31  }
0x3d: {  	v34 =	vsel vm7, $0xFFD, v34;
	v35 =	vsel vm7, $0x2FFD, v35;
	v36 =	vsel vm7, $0xFFE, v36  }
0x3e: {  	v38 =	vsel vm7, $0x2FFE, v38;
	v39 =	vsel vm7, $0xFFF, v39;
	v40 =	vsel vm7, $0x2FFF, v40  }
0x3f: {  	v1 =	vsel vm6, $0x1000, v1;
	v2 =	vsel vm9, $0x2280, v2;
	v10 =	vsel vm6, $0x1C78, v8  }
0x40: {  	v8 =	vor.u32 $0x3000, v0;
	v20 =	vsel vm6, $0x3C78, v20;
	v21 =	vsel vm6, $0x1C79, v21  }
0x41: {  	v22 =	vsel vm6, $0x3C79, v22;
	v25 =	vsel vm6, $0x1C7A, v25;
	v26 =	vsel vm6, $0x3C7A, v26  }
0x42: {  	v27 =	vsel vm6, $0x1C7B, v27;
	v29 =	vsel vm6, $0x3C7B, v29;
	v30 =	vsel vm6, $0x1C7C, v30  }
0x43: {  	v31 =	vsel vm6, $0x3C7C, v31;
	v34 =	vsel vm6, $0x1C7D, v34;
	v35 =	vsel vm6, $0x3C7D, v35  }
0x44: {  	v36 =	vsel vm6, $0x1C7E, v36;
	v38 =	vsel vm6, $0x3C7E, v38;
	v39 =	vsel vm6, $0x1C7F, v39  }
0x45: {  	v40 =	vsel vm6, $0x3C7F, v40;
	v1 =	vsel vm5, $0x1080, v1;
	v2 =	vsel vm8, $0x2300, v2  }
0x46: {  	v12 =	vsel vm5, $0x1CF8, v10;
	v10 =	vor.u32 $0x4000, v0;
	v20 =	vsel vm5, $0x3CF8, v20  }
0x47: {  	v21 =	vsel vm5, $0x1CF9, v21;
	v22 =	vsel vm5, $0x3CF9, v22;
	v25 =	vsel vm5, $0x1CFA, v25  }
0x48: {  	v26 =	vsel vm5, $0x3CFA, v26;
	v27 =	vsel vm5, $0x1CFB, v27;
	v29 =	vsel vm5, $0x3CFB, v29  }
0x49: {  	v30 =	vsel vm5, $0x1CFC, v30;
	v31 =	vsel vm5, $0x3CFC, v31;
	v34 =	vsel vm5, $0x1CFD, v34  }
0x4a: {  	v35 =	vsel vm5, $0x3CFD, v35;
	v36 =	vsel vm5, $0x1CFE, v36;
	v38 =	vsel vm5, $0x3CFE, v38  }
0x4b: {  	v39 =	vsel vm5, $0x1CFF, v39;
	v40 =	vsel vm5, $0x3CFF, v40;
	v1 =	vsel vm4, $0x1100, v1  }
0x4c: {  	v2 =	vsel vm7, $0x2380, v2;
	v14 =	vsel vm4, $0x1D78, v12;
	v12 =	vor.u32 $0x5000, v0  }
0x4d: {  	v20 =	vsel vm4, $0x3D78, v20;
	v21 =	vsel vm4, $0x1D79, v21;
	v22 =	vsel vm4, $0x3D79, v22  }
0x4e: {  	v25 =	vsel vm4, $0x1D7A, v25;
	v26 =	vsel vm4, $0x3D7A, v26;
	v27 =	vsel vm4, $0x1D7B, v27  }
0x4f: {  	v29 =	vsel vm4, $0x3D7B, v29;
	v30 =	vsel vm4, $0x1D7C, v30;
	v31 =	vsel vm4, $0x3D7C, v31  }
0x50: {  	v34 =	vsel vm4, $0x1D7D, v34;
	v35 =	vsel vm4, $0x3D7D, v35;
	v36 =	vsel vm4, $0x1D7E, v36  }
0x51: {  	v38 =	vsel vm4, $0x3D7E, v38;
	v39 =	vsel vm4, $0x1D7F, v39;
	v40 =	vsel vm4, $0x3D7F, v40  }
0x52: {  	v1 =	vsel vm1, $0x1180, v1;
	v2 =	vsel vm6, $0x3000, v2;
	v16 =	vsel vm1, $0x1DF8, v14  }
0x53: {  	v14 =	vor.u32 $0x6000, v0;
	v20 =	vsel vm1, $0x3DF8, v20;
	v21 =	vsel vm1, $0x1DF9, v21  }
0x54: {  	v22 =	vsel vm1, $0x3DF9, v22;
	v25 =	vsel vm1, $0x1DFA, v25;
	v26 =	vsel vm1, $0x3DFA, v26  }
0x55: {  	v27 =	vsel vm1, $0x1DFB, v27;
	v29 =	vsel vm1, $0x3DFB, v29;
	v30 =	vsel vm1, $0x1DFC, v30  }
0x56: {  	v31 =	vsel vm1, $0x3DFC, v31;
	v34 =	vsel vm1, $0x1DFD, v34;
	v35 =	vsel vm1, $0x3DFD, v35  }
0x57: {  	v36 =	vsel vm1, $0x1DFE, v36;
	v38 =	vsel vm1, $0x3DFE, v38;
	v39 =	vsel vm1, $0x1DFF, v39  }
0x58: {  	v40 =	vsel vm1, $0x3DFF, v40;
	v1 =	vsel vm0, $0x1200, v1;
	v2 =	vsel vm5, $0x3080, v2  }
0x59: {  	v18 =	vsel vm0, $0x1E78, v16;
	v16 =	vor.u32 $0x7000, v0;
	v20 =	vsel vm0, $0x3E78, v20  }
0x5a: {  	v21 =	vsel vm0, $0x1E79, v21;
	v22 =	vsel vm0, $0x3E79, v22;
	v25 =	vsel vm0, $0x1E7A, v25  }
0x5b: {  	v26 =	vsel vm0, $0x3E7A, v26;
	v27 =	vsel vm0, $0x1E7B, v27;
	v29 =	vsel vm0, $0x3E7B, v29  }
0x5c: {  	v30 =	vsel vm0, $0x1E7C, v30;
	v31 =	vsel vm0, $0x3E7C, v31;
	v34 =	vsel vm0, $0x1E7D, v34  }
0x5d: {  	v35 =	vsel vm0, $0x3E7D, v35;
	v36 =	vsel vm0, $0x1E7E, v36;
	v38 =	vsel vm0, $0x3E7E, v38  }
0x5e: {  	v39 =	vsel vm0, $0x1E7F, v39;
	v40 =	vsel vm0, $0x3E7F, v40;
	v2 =	vsel vm4, $0x3100, v2  }
0x5f: {  	s1 =	rddreg [dreg:$0x0];
	v1 =	vsel vm2, $0x1280, v1;
	v19 =	vsel vm2, $0x1EF8, v18;
	v18 =	vimm.s32 $0x1F8  }
0x60: {  	s0 =	rddreg [dreg:$0x1];
	s2 =	srdreg.scid;
	v20 =	vsel vm2, $0x3EF8, v20;
	v23 =	vsel vm2, $0x1EF9, v21;
	v24 =	vsel vm2, $0x3EF9, v22  }
0x61: {  	s5 =	rddreg [dreg:$0x2];
	s3 =	stileid.u32;
	v21 =	vimm.s32 $0x1F9;
	v25 =	vsel vm2, $0x1EFA, v25;
	v26 =	vsel vm2, $0x3EFA, v26  }
0x62: {  	s8 =	simm.s32 $0x3;
	s9 =	simm.s32 $0x7A1400;
	s10 =	simm.s32 $0x280;
	v28 =	vsel vm2, $0x1EFB, v27;
	v27 =	vimm.s32 $0x1FB;
	v29 =	vsel vm2, $0x3EFB, v29  }
0x63: {  	s11 =	simm.s32 $0x1280;
	s12 =	simm.s32 $0x2280;
	s13 =	simm.s32 $0x3280;
	v32 =	vsel vm2, $0x1EFC, v30;
	v33 =	vsel vm2, $0x3EFC, v31;
	v30 =	vimm.s32 $0x1FC  }
0x64: {  	s14 =	simm.s32 $0x4280;
	s15 =	simm.s32 $0x5280;
	s16 =	simm.s32 $0x6280;
	v34 =	vsel vm2, $0x1EFD, v34;
	v35 =	vsel vm2, $0x3EFD, v35;
	v37 =	vsel vm2, $0x1EFE, v36  }
0x65: {  	s17 =	simm.s32 $0x7280;
	s18 =	simm.s32 $0x8280;
	s19 =	simm.s32 $0x9280;
	v36 =	vimm.s32 $0x1FE;
	v38 =	vsel vm2, $0x3EFE, v38;
	v41 =	vsel vm2, $0x1EFF, v39  }
0x66: {  	s20 =	simm.s32 $0xA280;
	s21 =	simm.s32 $0xB280;
	s22 =	simm.s32 $0xC280;
	v42 =	vsel vm2, $0x3EFF, v40;
	v39 =	vimm.s32 $0x1FF;
	v2 =	vsel vm1, $0x3180, v2  }
0x67: {  	s23 =	simm.s32 $0xD280;
	s24 =	simm.s32 $0xE280;
	s25 =	simm.s32 $0xF280;
	v1 =	vsel vm3, $0x1300, v1;
	v19 =	vsel vm3, $0x1F78, v19;
	v20 =	vsel vm3, $0x3F78, v20  }
0x68: {  	s26 =	simm.s32 $0x1;
	s28 =	simm.s32 $0x10280;
	s29 =	simm.s32 $0x2;
	v22 =	vsel vm3, $0x1F79, v23;
	v23 =	vsel vm3, $0x3F79, v24;
	v24 =	vimm.s32 $0x1FA  }
0x69: {  	s2 =	sand.u32 $0x1, s2;
	s4 =	sshll.u32 s3, $0xA;
	s3 =	simm.s32 $0x0;
	v25 =	vsel vm3, $0x1F7A, v25;
	v26 =	vsel vm3, $0x3F7A, v26;
	v28 =	vsel vm3, $0x1F7B, v28  }
.Ltmp0:
0x6a: {  	s6 =	sshll.u32 s2, $0x9;
	s2 =	ssub.s32 $0x2, s2;
	v29 =	vsel vm3, $0x3F7B, v29;
	v31 =	vsel vm3, $0x1F7C, v32;
	v32 =	vsel vm3, $0x3F7C, v33;
	(pc) =	sbr.rel .LBB2_1-.Ltmp0, $4  }
0x6b: {  	[smem:$0x7FF] =	sst s3;
	s6 =	sor.u32 s6, s4;
	s31 =	sshrl.u32 s2, $0x1;
	v33 =	vimm.s32 $0x1FD;
	v34 =	vsel vm3, $0x1F7D, v34;
	v35 =	vsel vm3, $0x3F7D, v35  }
0x6c: {  	_ =	strace $0x80000047;
	s7 =	sshrl.u32 s6, $0x3;
	s2 =	ssub.s32 s2, s31;
	v37 =	vsel vm3, $0x1F7E, v37;
	v38 =	vsel vm3, $0x3F7E, v38;
	v2 =	vsel vm0, $0x3200, v2  }
0x6d: {  	s5 =	sadd.s32 s5, s6;
	s1 =	sadd.s32 s1, s7;
	s6 =	smax.u32 s2, $0x1;
	v40 =	vsel vm3, $0x1F7F, v41;
	v41 =	vsel vm3, $0x3F7F, v42;
	v4 =	vsel vm2, $0x3280, v2  }
0x6e: {  	s7 =	simm.s32 $0x400;
	s2 =	simm.s32 $0x0;
	[dreg:$0x4] =	wrdreg s1;
	v2 =	vor.u32 $0x800, v0;
	v3 =	vsel vm3, $0x3300, v4;
	v4 =	vor.u32 $0x1000, v0  }
.LBB2_5:
0x6f: {  	_ =	swait.ge [sflag:s29], $0x1000  }
0x70: {  	[sflag:s29] =	ssyncset.done $0x0  }
0x71: {  	[sflag:s29] =	ssyncadd.s32 $0xFFFFF000  }
0x72: {  	_ =	swait.ge [sflag:s29], $0x1000  }
0x73: {  	[sflag:s29] =	ssyncset.done $0x0  }
0x74: {  	[sflag:s29] =	ssyncadd.s32 $0xFFFFF000  }
0x75: {  	_ =	swait.ge [sflag:s29], $0x1000  }
0x76: {  	[sflag:s29] =	ssyncset.done $0x0  }
0x77: {  	[sflag:s29] =	ssyncadd.s32 $0xFFFFF000  }
0x78: {  	_ =	swait.ge [sflag:s29], $0x1000  }
0x79: {  	[sflag:s29] =	ssyncset.done $0x0  }
0x7a: {  	[sflag:s29] =	ssyncadd.s32 $0xFFFFF000  }
0x7b: {  	_ =	swait.ge [sflag:s29], $0x1000  }
0x7c: {  	[sflag:s29] =	ssyncset.done $0x0  }
0x7d: {  	[sflag:s29] =	ssyncadd.s32 $0xFFFFF000  }
0x7e: {  	_ =	swait.ge [sflag:s29], $0x1000  }
0x7f: {  	[sflag:s29] =	ssyncset.done $0x0  }
0x80: {  	[sflag:s29] =	ssyncadd.s32 $0xFFFFF000  }
0x81: {  	_ =	swait.ge [sflag:s29], $0x1000  }
0x82: {  	[sflag:s29] =	ssyncset.done $0x0  }
0x83: {  	[sflag:s29] =	ssyncadd.s32 $0xFFFFF000  }
0x84: {  	_ =	swait.ge [sflag:s29], $0x1000  }
0x85: {  	[sflag:s29] =	ssyncset.done $0x0  }
0x86: {  	[sflag:s29] =	ssyncadd.s32 $0xFFFFF000  }
0x87: {  	v42 =	vld.idx.msk [tilespmem:v18+s3+$0x0], $0xffff;
	_ =	sdelay $0x4  }
0x88: {  	v42 =	vand.u32 $0x7F, v42  }
0x89: {  	v43 =	vor.u32 v0, v42;
	_ =	sdelay $0x4  }
0x8a: {  	v43 =	vld.idx.msk [tilespmem:v43+s18+$0x0], $0xffff  }
0x8b: {  	v42 =	vor.u32 v2, v42;
	_ =	sdelay $0x3  }
0x8c: {  	[tilespmem:v19+s28+$0x0] =	vst.idx.msk $0xffff, v43  }
0x8d: {  	v42 =	vld.idx.msk [tilespmem:v42+s18+$0x0], $0xffff;
	_ =	sdelay $0x4  }
0x8e: {  	[tilespmem:v20+s28+$0x0] =	vst.idx.msk $0xffff, v42  }
0x8f: {  	v42 =	vld.idx.msk [tilespmem:v21+s3+$0x0], $0xffff;
	_ =	sdelay $0x4  }
0x90: {  	v42 =	vand.u32 $0x7F, v42  }
0x91: {  	v57 =	vor.u32 v4, v42;
	_ =	sdelay $0x4  }
0x92: {  	v43 =	vld.idx.msk [tilespmem:v57+s18+$0x0], $0xffff  }
0x93: {  	v42 =	vor.u32 v5, v42;
	_ =	sdelay $0x3  }
0x94: {  	[tilespmem:v22+s28+$0x0] =	vst.idx.msk $0xffff, v43  }
0x95: {  	v42 =	vld.idx.msk [tilespmem:v42+s18+$0x0], $0xffff;
	_ =	sdelay $0x4  }
0x96: {  	[tilespmem:v23+s28+$0x0] =	vst.idx.msk $0xffff, v42  }
0x97: {  	v42 =	vld.idx.msk [tilespmem:v24+s3+$0x0], $0xffff;
	_ =	sdelay $0x4  }
0x98: {  	v42 =	vand.u32 $0x7F, v42  }
0x99: {  	v58 =	vor.u32 v6, v42;
	_ =	sdelay $0x4  }
0x9a: {  	v43 =	vld.idx.msk [tilespmem:v58+s18+$0x0], $0xffff  }
0x9b: {  	v42 =	vor.u32 v7, v42;
	_ =	sdelay $0x3  }
0x9c: {  	[tilespmem:v25+s28+$0x0] =	vst.idx.msk $0xffff, v43  }
0x9d: {  	v42 =	vld.idx.msk [tilespmem:v42+s18+$0x0], $0xffff;
	_ =	sdelay $0x4  }
0x9e: {  	[tilespmem:v26+s28+$0x0] =	vst.idx.msk $0xffff, v42  }
0x9f: {  	v42 =	vld.idx.msk [tilespmem:v27+s3+$0x0], $0xffff;
	_ =	sdelay $0x4  }
0xa0: {  	v42 =	vand.u32 $0x7F, v42  }
0xa1: {  	v59 =	vor.u32 v8, v42;
	_ =	sdelay $0x4  }
0xa2: {  	v43 =	vld.idx.msk [tilespmem:v59+s18+$0x0], $0xffff  }
0xa3: {  	v42 =	vor.u32 v9, v42;
	_ =	sdelay $0x3  }
0xa4: {  	[tilespmem:v28+s28+$0x0] =	vst.idx.msk $0xffff, v43  }
0xa5: {  	v42 =	vld.idx.msk [tilespmem:v42+s18+$0x0], $0xffff;
	_ =	sdelay $0x4  }
0xa6: {  	[tilespmem:v29+s28+$0x0] =	vst.idx.msk $0xffff, v42  }
0xa7: {  	v42 =	vld.idx.msk [tilespmem:v30+s3+$0x0], $0xffff;
	_ =	sdelay $0x4  }
0xa8: {  	v42 =	vand.u32 $0x7F, v42  }
0xa9: {  	v60 =	vor.u32 v10, v42;
	_ =	sdelay $0x4  }
0xaa: {  	v43 =	vld.idx.msk [tilespmem:v60+s18+$0x0], $0xffff  }
0xab: {  	v42 =	vor.u32 v11, v42;
	_ =	sdelay $0x3  }
0xac: {  	[tilespmem:v31+s28+$0x0] =	vst.idx.msk $0xffff, v43  }
0xad: {  	v42 =	vld.idx.msk [tilespmem:v42+s18+$0x0], $0xffff;
	_ =	sdelay $0x4  }
0xae: {  	[tilespmem:v32+s28+$0x0] =	vst.idx.msk $0xffff, v42  }
0xaf: {  	v42 =	vld.idx.msk [tilespmem:v33+s3+$0x0], $0xffff;
	_ =	sdelay $0x4  }
0xb0: {  	v42 =	vand.u32 $0x7F, v42  }
0xb1: {  	v61 =	vor.u32 v12, v42;
	_ =	sdelay $0x4  }
0xb2: {  	v43 =	vld.idx.msk [tilespmem:v61+s18+$0x0], $0xffff  }
0xb3: {  	v42 =	vor.u32 v13, v42;
	_ =	sdelay $0x3  }
0xb4: {  	[tilespmem:v34+s28+$0x0] =	vst.idx.msk $0xffff, v43  }
0xb5: {  	v42 =	vld.idx.msk [tilespmem:v42+s18+$0x0], $0xffff;
	_ =	sdelay $0x4  }
0xb6: {  	[tilespmem:v35+s28+$0x0] =	vst.idx.msk $0xffff, v42  }
0xb7: {  	v42 =	vld.idx.msk [tilespmem:v36+s3+$0x0], $0xffff;
	_ =	sdelay $0x4  }
0xb8: {  	v42 =	vand.u32 $0x7F, v42  }
0xb9: {  	v62 =	vor.u32 v14, v42;
	_ =	sdelay $0x4  }
0xba: {  	v43 =	vld.idx.msk [tilespmem:v62+s18+$0x0], $0xffff  }
0xbb: {  	v42 =	vor.u32 v15, v42;
	_ =	sdelay $0x3  }
0xbc: {  	[tilespmem:v37+s28+$0x0] =	vst.idx.msk $0xffff, v43  }
0xbd: {  	v42 =	vld.idx.msk [tilespmem:v42+s18+$0x0], $0xffff;
	_ =	sdelay $0x4  }
0xbe: {  	[tilespmem:v38+s28+$0x0] =	vst.idx.msk $0xffff, v42  }
0xbf: {  	v42 =	vld.idx.msk [tilespmem:v39+s3+$0x0], $0xffff;
	_ =	sdelay $0x4  }
0xc0: {  	v42 =	vand.u32 $0x7F, v42  }
0xc1: {  	v63 =	vor.u32 v16, v42;
	_ =	sdelay $0x4  }
0xc2: {  	v43 =	vld.idx.msk [tilespmem:v63+s18+$0x0], $0xffff  }
0xc3: {  	v42 =	vor.u32 v17, v42;
	_ =	sdelay $0x3  }
0xc4: {  	[tilespmem:v40+s28+$0x0] =	vst.idx.msk $0xffff, v43  }
0xc5: {  	v42 =	vld.idx.msk [tilespmem:v42+s18+$0x0], $0xffff;
	_ =	sdelay $0x2  }
0xc6: {  	s2 =	sadd.s32 $0x1, s2  }
0xc7: {  	p0 =	sne.s32 s2, s6  }
.Ltmp1:
0xc8: {  	s1 =	simm.s32 $0x1000;
	s4 =	simm.s32 $0x20000;
	[tilespmem:v41+s28+$0x0] =	vst.idx.msk $0xffff, v42;
	(pc) =	sbr.rel @!p0 .LBB2_6-.Ltmp1, $4  }
0xc9: {  	[hbm4b:s5+s1] =	stream.strided.scatter [tilespmem:s28], [sflag:$0x3], $0x4000, s4, s1, $0x38;
	[tilespmem:$0x14280] =	vst v63  }
0xca: {  	_ =	swait.ge [sflag:s8], $0x4000  }
0xcb: {  	[sflag:s8] =	ssyncset.done $0x0  }
0xcc: {  	[sflag:s8] =	ssyncadd.s32 $0xFFFFC000  }
.LBB2_1:
.Ltmp2:
0xcd: {  	s1 =	rddreg [dreg:$0x4];
	(pc) =	sbr.rel .LBB2_2-.Ltmp2, $4  }
0xce: {  	[tilespmem:s3], [sflag:$0x3] =	stream.linear.gather [hbm4b:s1+s3], $0x200, $0x38;
	[tilespmem:$0x14280] =	vst v63  }
0xcf: {  	_ =	swait.ge [sflag:s8], $0x200  }
0xd0: {  	[sflag:s8] =	ssyncset.done $0x0  }
0xd1: {  	s30 =	simm.s32 $0x8;
	s1 =	simm.s32 $0x7;
	[sflag:s8] =	ssyncadd.s32 $0xFFFFFE00  }
.LBB2_4:
0xd2: {  	v42 =	vld [tilespmem:s30+$0x0];
	_ =	sdelay $0x4  }
0xd3: {  	(v2sf) =	vpush v42, $0x0  }
0xd4: {  	(v2sf) =	vpush v42, $0x1;
	_ =	sdelay $0x2  }
0xd5: {  	(v2sf) =	vpush v42, $0x2;
	_ =	sdelay $0x2  }
0xd6: {  	(v2sf) =	vpush v42, $0x3;
	_ =	sdelay $0x2  }
0xd7: {  	(v2sf) =	vpush v42, $0x4;
	_ =	sdelay $0x4  }
0xd8: {  	s31 =	spop (v2sf);
	(v2sf) =	vpush v42, $0x5  }
0xd9: {  	s31 =	sand.u32 $0xFFFFF80, s31;
	s4 =	spop (v2sf);
	(v2sf) =	vpush v42, $0x6  }
0xda: {  	s31 =	sadd.s32 s0, s31  }
0xdb: {  	[tilespmem:s18], [sflag:$0x2] =	stream.strided.gather [hbm4b:s31+s7], $0x1000, s9, s7, $0x38;
	[tilespmem:$0x14280] =	vst v63  }
0xdc: {  	s31 =	sand.u32 $0xFFFFF80, s4;
	s4 =	spop (v2sf);
	(v2sf) =	vpush v42, $0x7  }
0xdd: {  	s31 =	sadd.s32 s0, s31  }
0xde: {  	[tilespmem:s19], [sflag:$0x2] =	stream.strided.gather [hbm4b:s31+s7], $0x1000, s9, s7, $0x38;
	[tilespmem:$0x14280] =	vst v63  }
0xdf: {  	s31 =	sand.u32 $0xFFFFF80, s4;
	s4 =	spop (v2sf)  }
0xe0: {  	s31 =	sadd.s32 s0, s31;
	s4 =	sand.u32 $0xFFFFF80, s4  }
0xe1: {  	[tilespmem:s20], [sflag:$0x2] =	stream.strided.gather [hbm4b:s31+s7], $0x1000, s9, s7, $0x38;
	[tilespmem:$0x14280] =	vst v63  }
0xe2: {  	s31 =	spop (v2sf);
	s4 =	sadd.s32 s0, s4  }
0xe3: {  	[tilespmem:s21], [sflag:$0x2] =	stream.strided.gather [hbm4b:s4+s7], $0x1000, s9, s7, $0x38;
	[tilespmem:$0x14280] =	vst v63  }
0xe4: {  	s4 =	sand.u32 $0xFFFFF80, s31  }
0xe5: {  	s4 =	sadd.s32 s0, s4  }
0xe6: {  	[tilespmem:s22], [sflag:$0x2] =	stream.strided.gather [hbm4b:s4+s7], $0x1000, s9, s7, $0x38;
	[tilespmem:$0x14280] =	vst v63  }
0xe7: {  	s31 =	spop (v2sf)  }
0xe8: {  	s4 =	sand.u32 $0xFFFFF80, s31;
	s31 =	spop (v2sf)  }
0xe9: {  	s4 =	sadd.s32 s0, s4;
	s31 =	sand.u32 $0xFFFFF80, s31  }
0xea: {  	[tilespmem:s23], [sflag:$0x2] =	stream.strided.gather [hbm4b:s4+s7], $0x1000, s9, s7, $0x38;
	[tilespmem:$0x14280] =	vst v63  }
0xeb: {  	s4 =	sadd.s32 s0, s31;
	s31 =	spop (v2sf)  }
0xec: {  	[tilespmem:s24], [sflag:$0x2] =	stream.strided.gather [hbm4b:s4+s7], $0x1000, s9, s7, $0x38;
	[tilespmem:$0x14280] =	vst v63  }
0xed: {  	s4 =	sand.u32 $0xFFFFF80, s31  }
0xee: {  	s4 =	sadd.s32 s0, s4  }
0xef: {  	[tilespmem:s25], [sflag:$0x2] =	stream.strided.gather [hbm4b:s4+s7], $0x1000, s9, s7, $0x38;
	[tilespmem:$0x14280] =	vst v63  }
0xf0: {  	_ =	swait.ge [sflag:s26], $0x1000  }
0xf1: {  	[sflag:s26] =	ssyncset.done $0x0  }
0xf2: {  	[sflag:s26] =	ssyncadd.s32 $0xFFFFF000  }
0xf3: {  	_ =	swait.ge [sflag:s26], $0x1000  }
0xf4: {  	[sflag:s26] =	ssyncset.done $0x0  }
0xf5: {  	[sflag:s26] =	ssyncadd.s32 $0xFFFFF000  }
0xf6: {  	_ =	swait.ge [sflag:s26], $0x1000  }
0xf7: {  	[sflag:s26] =	ssyncset.done $0x0  }
0xf8: {  	[sflag:s26] =	ssyncadd.s32 $0xFFFFF000  }
0xf9: {  	_ =	swait.ge [sflag:s26], $0x1000  }
0xfa: {  	[sflag:s26] =	ssyncset.done $0x0  }
0xfb: {  	[sflag:s26] =	ssyncadd.s32 $0xFFFFF000  }
0xfc: {  	_ =	swait.ge [sflag:s26], $0x1000  }
0xfd: {  	[sflag:s26] =	ssyncset.done $0x0  }
0xfe: {  	[sflag:s26] =	ssyncadd.s32 $0xFFFFF000  }
0xff: {  	_ =	swait.ge [sflag:s26], $0x1000  }
0x100: {  	[sflag:s26] =	ssyncset.done $0x0  }
0x101: {  	[sflag:s26] =	ssyncadd.s32 $0xFFFFF000  }
0x102: {  	s31 =	sadd.s32 $0xFFFFFFF9, s1;
	_ =	swait.ge [sflag:s26], $0x1000  }
0x103: {  	v51 =	vmov s31;
	[sflag:s26] =	ssyncset.done $0x0  }
0x104: {  	[sflag:s26] =	ssyncadd.s32 $0xFFFFF000  }
0x105: {  	_ =	swait.ge [sflag:s26], $0x1000  }
0x106: {  	[sflag:s26] =	ssyncset.done $0x0  }
0x107: {  	[sflag:s26] =	ssyncadd.s32 $0xFFFFF000  }
0x108: {  	v43 =	vld.idx.msk [tilespmem:v51+s3+$0x0], $0xffff;
	_ =	sdelay $0x4  }
0x109: {  	v43 =	vand.u32 $0x7F, v43  }
0x10a: {  	v44 =	vor.u32 v0, v43;
	_ =	sdelay $0x1  }
0x10b: {  	v45 =	vshll.u32 v51, $0x3  }
0x10c: {  	v42 =	vand.u32 $0x70, v51;
	v45 =	vand.u32 $0xC00, v45  }
0x10d: {  	v42 =	vor.u32 v42, v45  }
0x10e: {  	v45 =	vor.u32 v1, v42;
	v44 =	vld.idx.msk [tilespmem:v44+s10+$0x0], $0xffff  }
0x10f: {  	v43 =	vor.u32 v2, v43;
	_ =	sdelay $0x3  }
0x110: {  	[tilespmem:v45+s28+$0x0] =	vst.idx.msk $0xffff, v44  }
0x111: {  	s31 =	sadd.s32 $0xFFFFFFFA, s1;
	v42 =	vor.u32 v3, v42;
	v43 =	vld.idx.msk [tilespmem:v43+s10+$0x0], $0xffff  }
0x112: {  	v52 =	vmov s31;
	_ =	sdelay $0x3  }
0x113: {  	[tilespmem:v42+s28+$0x0] =	vst.idx.msk $0xffff, v43  }
0x114: {  	v42 =	vld.idx.msk [tilespmem:v52+s3+$0x0], $0xffff;
	_ =	sdelay $0x4  }
0x115: {  	v42 =	vand.u32 $0x7F, v42  }
0x116: {  	v53 =	vor.u32 v4, v42;
	_ =	sdelay $0x1  }
0x117: {  	v54 =	vshll.u32 v52, $0x3  }
0x118: {  	v44 =	vand.u32 $0x71, v52;
	v45 =	vand.u32 $0xC00, v54  }
0x119: {  	v44 =	vor.u32 v44, v45  }
0x11a: {  	v45 =	vor.u32 v1, v44;
	v43 =	vld.idx.msk [tilespmem:v53+s10+$0x0], $0xffff  }
0x11b: {  	v42 =	vor.u32 v5, v42;
	_ =	sdelay $0x3  }
0x11c: {  	[tilespmem:v45+s28+$0x0] =	vst.idx.msk $0xffff, v43  }
0x11d: {  	s31 =	sadd.s32 $0xFFFFFFFB, s1;
	v55 =	vor.u32 v3, v44;
	v42 =	vld.idx.msk [tilespmem:v42+s10+$0x0], $0xffff  }
0x11e: {  	v56 =	vmov s31;
	_ =	sdelay $0x3  }
0x11f: {  	[tilespmem:v55+s28+$0x0] =	vst.idx.msk $0xffff, v42  }
0x120: {  	v42 =	vld.idx.msk [tilespmem:v56+s3+$0x0], $0xffff;
	_ =	sdelay $0x4  }
0x121: {  	v42 =	vand.u32 $0x7F, v42  }
0x122: {  	v57 =	vor.u32 v6, v42;
	_ =	sdelay $0x1  }
0x123: {  	v58 =	vshll.u32 v56, $0x3  }
0x124: {  	v44 =	vand.u32 $0x72, v56;
	v45 =	vand.u32 $0xC00, v58  }
0x125: {  	v44 =	vor.u32 v44, v45  }
0x126: {  	v45 =	vor.u32 v1, v44;
	v43 =	vld.idx.msk [tilespmem:v57+s10+$0x0], $0xffff  }
0x127: {  	v42 =	vor.u32 v7, v42;
	_ =	sdelay $0x3  }
0x128: {  	[tilespmem:v45+s28+$0x0] =	vst.idx.msk $0xffff, v43  }
0x129: {  	s31 =	sadd.s32 $0xFFFFFFFC, s1;
	v59 =	vor.u32 v3, v44;
	v42 =	vld.idx.msk [tilespmem:v42+s10+$0x0], $0xffff  }
0x12a: {  	v60 =	vmov s31;
	_ =	sdelay $0x3  }
0x12b: {  	[tilespmem:v59+s28+$0x0] =	vst.idx.msk $0xffff, v42  }
0x12c: {  	v42 =	vld.idx.msk [tilespmem:v60+s3+$0x0], $0xffff;
	_ =	sdelay $0x4  }
0x12d: {  	v42 =	vand.u32 $0x7F, v42  }
0x12e: {  	v61 =	vor.u32 v8, v42;
	_ =	sdelay $0x1  }
0x12f: {  	v62 =	vshll.u32 v60, $0x3  }
0x130: {  	v44 =	vand.u32 $0x73, v60;
	v45 =	vand.u32 $0xC00, v62  }
0x131: {  	v44 =	vor.u32 v44, v45  }
0x132: {  	v45 =	vor.u32 v1, v44;
	v43 =	vld.idx.msk [tilespmem:v61+s10+$0x0], $0xffff  }
0x133: {  	v42 =	vor.u32 v9, v42;
	_ =	sdelay $0x3  }
0x134: {  	[tilespmem:v45+s28+$0x0] =	vst.idx.msk $0xffff, v43  }
0x135: {  	s31 =	sadd.s32 $0xFFFFFFFD, s1;
	v63 =	vor.u32 v3, v44;
	v42 =	vld.idx.msk [tilespmem:v42+s10+$0x0], $0xffff  }
0x136: {  	v48 =	vmov s31;
	_ =	sdelay $0x3  }
0x137: {  	[tilespmem:v63+s28+$0x0] =	vst.idx.msk $0xffff, v42  }
0x138: {  	v42 =	vld.idx.msk [tilespmem:v48+s3+$0x0], $0xffff;
	_ =	sdelay $0x4  }
0x139: {  	v42 =	vand.u32 $0x7F, v42  }
0x13a: {  	v49 =	vor.u32 v10, v42;
	_ =	sdelay $0x1  }
0x13b: {  	v50 =	vshll.u32 v48, $0x3  }
0x13c: {  	v44 =	vand.u32 $0x74, v48;
	v45 =	vand.u32 $0xC00, v50  }
0x13d: {  	v44 =	vor.u32 v44, v45  }
0x13e: {  	v45 =	vor.u32 v1, v44;
	v43 =	vld.idx.msk [tilespmem:v49+s10+$0x0], $0xffff  }
0x13f: {  	v42 =	vor.u32 v11, v42;
	_ =	sdelay $0x3  }
0x140: {  	[tilespmem:v45+s28+$0x0] =	vst.idx.msk $0xffff, v43  }
0x141: {  	s31 =	sadd.s32 $0xFFFFFFFE, s1;
	v51 =	vor.u32 v3, v44;
	v42 =	vld.idx.msk [tilespmem:v42+s10+$0x0], $0xffff  }
0x142: {  	v52 =	vmov s31;
	_ =	sdelay $0x3  }
0x143: {  	[tilespmem:v51+s28+$0x0] =	vst.idx.msk $0xffff, v42  }
0x144: {  	v42 =	vld.idx.msk [tilespmem:v52+s3+$0x0], $0xffff;
	_ =	sdelay $0x4  }
0x145: {  	v42 =	vand.u32 $0x7F, v42  }
0x146: {  	v53 =	vor.u32 v12, v42;
	_ =	sdelay $0x1  }
0x147: {  	v54 =	vshll.u32 v52, $0x3  }
0x148: {  	v44 =	vand.u32 $0x75, v52;
	v45 =	vand.u32 $0xC00, v54  }
0x149: {  	v44 =	vor.u32 v44, v45  }
0x14a: {  	v45 =	vor.u32 v1, v44;
	v43 =	vld.idx.msk [tilespmem:v53+s10+$0x0], $0xffff  }
0x14b: {  	v42 =	vor.u32 v13, v42;
	_ =	sdelay $0x3  }
0x14c: {  	[tilespmem:v45+s28+$0x0] =	vst.idx.msk $0xffff, v43  }
0x14d: {  	s31 =	sadd.s32 $0xFFFFFFFF, s1;
	v55 =	vor.u32 v3, v44;
	v42 =	vld.idx.msk [tilespmem:v42+s10+$0x0], $0xffff  }
0x14e: {  	v56 =	vmov s31;
	_ =	sdelay $0x3  }
0x14f: {  	[tilespmem:v55+s28+$0x0] =	vst.idx.msk $0xffff, v42  }
0x150: {  	v42 =	vld.idx.msk [tilespmem:v56+s3+$0x0], $0xffff;
	_ =	sdelay $0x4  }
0x151: {  	v42 =	vand.u32 $0x7F, v42  }
0x152: {  	v57 =	vor.u32 v14, v42;
	_ =	sdelay $0x1  }
0x153: {  	v58 =	vshll.u32 v56, $0x3  }
0x154: {  	v44 =	vand.u32 $0x76, v56;
	v45 =	vand.u32 $0xC00, v58  }
0x155: {  	v44 =	vor.u32 v44, v45  }
0x156: {  	v45 =	vor.u32 v1, v44;
	v43 =	vld.idx.msk [tilespmem:v57+s10+$0x0], $0xffff  }
0x157: {  	v42 =	vor.u32 v15, v42;
	_ =	sdelay $0x3  }
0x158: {  	[tilespmem:v45+s28+$0x0] =	vst.idx.msk $0xffff, v43  }
0x159: {  	v59 =	vor.u32 v3, v44;
	v42 =	vld.idx.msk [tilespmem:v42+s10+$0x0], $0xffff  }
0x15a: {  	v60 =	vmov s1;
	_ =	sdelay $0x3  }
0x15b: {  	[tilespmem:v59+s28+$0x0] =	vst.idx.msk $0xffff, v42  }
0x15c: {  	v42 =	vld.idx.msk [tilespmem:v60+s3+$0x0], $0xffff;
	_ =	sdelay $0x4  }
0x15d: {  	v42 =	vand.u32 $0x7F, v42  }
0x15e: {  	v61 =	vor.u32 v16, v42;
	_ =	sdelay $0x1  }
0x15f: {  	v62 =	vshll.u32 v60, $0x3  }
0x160: {  	v44 =	vand.u32 $0x77, v60;
	v45 =	vand.u32 $0xC00, v62  }
0x161: {  	v44 =	vor.u32 v44, v45  }
0x162: {  	v45 =	vor.u32 v1, v44;
	v43 =	vld.idx.msk [tilespmem:v61+s10+$0x0], $0xffff  }
0x163: {  	v42 =	vor.u32 v17, v42;
	_ =	sdelay $0x3  }
0x164: {  	s1 =	sadd.s32 $0x10, s1;
	[tilespmem:v45+s28+$0x0] =	vst.idx.msk $0xffff, v43  }
0x165: {  	p0 =	sne.s32 s1, $0x207;
	v63 =	vor.u32 v3, v44;
	v42 =	vld.idx.msk [tilespmem:v42+s10+$0x0], $0xffff  }
.Ltmp3:
0x166: {  	_ = 	snop;
	(pc) =	sbr.rel @!p0 .LBB2_5-.Ltmp3, $2  }
0x167: {  	_ =	sdelay $0x2  }
0x168: {  	s30 =	sadd.s32 $0x10, s30;
	[tilespmem:v63+s28+$0x0] =	vst.idx.msk $0xffff, v42  }
.LBB2_2:
0x169: {  	v42 =	vld [tilespmem:s30+$0xFFFFFFF8];
	_ =	sdelay $0x4  }
0x16a: {  	(v2sf) =	vpush v42, $0x0;
	_ =	sdelay $0x1  }
0x16b: {  	(v2sf) =	vpush v42, $0x1;
	_ =	sdelay $0x2  }
0x16c: {  	(v2sf) =	vpush v42, $0x2;
	_ =	sdelay $0x2  }
0x16d: {  	(v2sf) =	vpush v42, $0x3;
	_ =	sdelay $0x6  }
0x16e: {  	s31 =	spop (v2sf);
	(v2sf) =	vpush v42, $0x4;
	_ =	sdelay $0x1  }
0x16f: {  	s31 =	sand.u32 $0xFFFFF80, s31;
	s4 =	spop (v2sf);
	(v2sf) =	vpush v42, $0x5  }
0x170: {  	s31 =	sadd.s32 s0, s31  }
0x171: {  	[tilespmem:s10], [sflag:$0x1] =	stream.strided.gather [hbm4b:s31+s7], $0x1000, s9, s7, $0x38;
	[tilespmem:$0x14280] =	vst v63  }
0x172: {  	s31 =	sand.u32 $0xFFFFF80, s4;
	s4 =	spop (v2sf);
	(v2sf) =	vpush v42, $0x6  }
0x173: {  	s31 =	sadd.s32 s0, s31  }
0x174: {  	[tilespmem:s11], [sflag:$0x1] =	stream.strided.gather [hbm4b:s31+s7], $0x1000, s9, s7, $0x38;
	[tilespmem:$0x14280] =	vst v63  }
0x175: {  	s31 =	sand.u32 $0xFFFFF80, s4;
	s4 =	spop (v2sf);
	(v2sf) =	vpush v42, $0x7;
	_ =	sdelay $0x1  }
0x176: {  	s31 =	sadd.s32 s0, s31  }
0x177: {  	[tilespmem:s12], [sflag:$0x1] =	stream.strided.gather [hbm4b:s31+s7], $0x1000, s9, s7, $0x38;
	[tilespmem:$0x14280] =	vst v63  }
0x178: {  	s31 =	sand.u32 $0xFFFFF80, s4  }
0x179: {  	s31 =	sadd.s32 s0, s31  }
0x17a: {  	[tilespmem:s13], [sflag:$0x1] =	stream.strided.gather [hbm4b:s31+s7], $0x1000, s9, s7, $0x38;
	[tilespmem:$0x14280] =	vst v63  }
0x17b: {  	s4 =	spop (v2sf)  }
0x17c: {  	s31 =	sand.u32 $0xFFFFF80, s4  }
0x17d: {  	s4 =	spop (v2sf);
	s31 =	sadd.s32 s0, s31  }
0x17e: {  	[tilespmem:s14], [sflag:$0x1] =	stream.strided.gather [hbm4b:s31+s7], $0x1000, s9, s7, $0x38;
	[tilespmem:$0x14280] =	vst v63  }
0x17f: {  	s31 =	sand.u32 $0xFFFFF80, s4  }
0x180: {  	s4 =	spop (v2sf);
	s31 =	sadd.s32 s0, s31  }
0x181: {  	[tilespmem:s15], [sflag:$0x1] =	stream.strided.gather [hbm4b:s31+s7], $0x1000, s9, s7, $0x38;
	[tilespmem:$0x14280] =	vst v63  }
0x182: {  	p0 =	seq.s32 s1, $0x7;
	s31 =	sand.u32 $0xFFFFF80, s4  }
.Ltmp4:
0x183: {  	s4 =	spop (v2sf);
	s31 =	sadd.s32 s0, s31;
	(pc) =	sbr.rel @p0 .LBB2_4-.Ltmp4, $4  }
0x184: {  	[tilespmem:s16], [sflag:$0x1] =	stream.strided.gather [hbm4b:s31+s7], $0x1000, s9, s7, $0x38;
	[tilespmem:$0x14280] =	vst v63  }
0x185: {  	s31 =	sand.u32 $0xFFFFF80, s4  }
0x186: {  	s31 =	sadd.s32 s0, s31  }
0x187: {  	[tilespmem:s17], [sflag:$0x1] =	stream.strided.gather [hbm4b:s31+s7], $0x1000, s9, s7, $0x38;
	[tilespmem:$0x14280] =	vst v63  }
0x188: {  	_ =	swait.ge [sflag:s29], $0x1000  }
0x189: {  	[sflag:s29] =	ssyncset.done $0x0  }
0x18a: {  	[sflag:s29] =	ssyncadd.s32 $0xFFFFF000  }
0x18b: {  	_ =	swait.ge [sflag:s29], $0x1000  }
0x18c: {  	[sflag:s29] =	ssyncset.done $0x0  }
0x18d: {  	[sflag:s29] =	ssyncadd.s32 $0xFFFFF000  }
0x18e: {  	_ =	swait.ge [sflag:s29], $0x1000  }
0x18f: {  	[sflag:s29] =	ssyncset.done $0x0  }
0x190: {  	[sflag:s29] =	ssyncadd.s32 $0xFFFFF000  }
0x191: {  	_ =	swait.ge [sflag:s29], $0x1000  }
0x192: {  	[sflag:s29] =	ssyncset.done $0x0  }
0x193: {  	[sflag:s29] =	ssyncadd.s32 $0xFFFFF000  }
0x194: {  	_ =	swait.ge [sflag:s29], $0x1000  }
0x195: {  	[sflag:s29] =	ssyncset.done $0x0  }
0x196: {  	[sflag:s29] =	ssyncadd.s32 $0xFFFFF000  }
0x197: {  	_ =	swait.ge [sflag:s29], $0x1000  }
0x198: {  	[sflag:s29] =	ssyncset.done $0x0  }
0x199: {  	[sflag:s29] =	ssyncadd.s32 $0xFFFFF000  }
0x19a: {  	s31 =	sadd.s32 $0xFFFFFFF1, s1;
	_ =	swait.ge [sflag:s29], $0x1000  }
0x19b: {  	v42 =	vmov s31;
	[sflag:s29] =	ssyncset.done $0x0  }
0x19c: {  	[sflag:s29] =	ssyncadd.s32 $0xFFFFF000  }
0x19d: {  	_ =	swait.ge [sflag:s29], $0x1000  }
0x19e: {  	[sflag:s29] =	ssyncset.done $0x0  }
0x19f: {  	[sflag:s29] =	ssyncadd.s32 $0xFFFFF000  }
0x1a0: {  	v43 =	vld.idx.msk [tilespmem:v42+s3+$0x0], $0xffff;
	_ =	sdelay $0x4  }
0x1a1: {  	v43 =	vand.u32 $0x7F, v43  }
0x1a2: {  	v44 =	vor.u32 v0, v43;
	_ =	sdelay $0x1  }
0x1a3: {  	v45 =	vshll.u32 v42, $0x3  }
0x1a4: {  	v45 =	vand.u32 $0xFFFFFC00, v45;
	v42 =	vand.u32 $0x78, v42  }
0x1a5: {  	v42 =	vor.u32 v42, v45  }
0x1a6: {  	v45 =	vadd.s32 v1, v42;
	v44 =	vld.idx.msk [tilespmem:v44+s18+$0x0], $0xffff  }
0x1a7: {  	v43 =	vor.u32 v2, v43;
	_ =	sdelay $0x3  }
0x1a8: {  	[tilespmem:v45+s28+$0x0] =	vst.idx.msk $0xffff, v44  }
0x1a9: {  	s4 =	sadd.s32 $0xFFFFFFF2, s1;
	v42 =	vadd.s32 v3, v42;
	v43 =	vld.idx.msk [tilespmem:v43+s18+$0x0], $0xffff  }
0x1aa: {  	v52 =	vmov s4;
	_ =	sdelay $0x3  }
0x1ab: {  	[tilespmem:v42+s28+$0x0] =	vst.idx.msk $0xffff, v43  }
0x1ac: {  	v42 =	vld.idx.msk [tilespmem:v52+s3+$0x0], $0xffff;
	_ =	sdelay $0x4  }
0x1ad: {  	v42 =	vand.u32 $0x7F, v42  }
0x1ae: {  	v53 =	vor.u32 v4, v42;
	_ =	sdelay $0x1  }
0x1af: {  	v54 =	vshll.u32 v52, $0x3  }
0x1b0: {  	v44 =	vand.u32 $0x79, v52;
	v45 =	vand.u32 $0xFFFFFC00, v54  }
0x1b1: {  	v44 =	vor.u32 v44, v45  }
0x1b2: {  	v45 =	vadd.s32 v1, v44;
	v43 =	vld.idx.msk [tilespmem:v53+s18+$0x0], $0xffff  }
0x1b3: {  	v42 =	vor.u32 v5, v42;
	_ =	sdelay $0x3  }
0x1b4: {  	[tilespmem:v45+s28+$0x0] =	vst.idx.msk $0xffff, v43  }
0x1b5: {  	s4 =	sadd.s32 $0xFFFFFFF3, s1;
	v55 =	vadd.s32 v3, v44;
	v42 =	vld.idx.msk [tilespmem:v42+s18+$0x0], $0xffff  }
0x1b6: {  	v56 =	vmov s4;
	_ =	sdelay $0x3  }
0x1b7: {  	[tilespmem:v55+s28+$0x0] =	vst.idx.msk $0xffff, v42  }
0x1b8: {  	v42 =	vld.idx.msk [tilespmem:v56+s3+$0x0], $0xffff;
	_ =	sdelay $0x4  }
0x1b9: {  	v42 =	vand.u32 $0x7F, v42  }
0x1ba: {  	v57 =	vor.u32 v6, v42;
	_ =	sdelay $0x1  }
0x1bb: {  	v58 =	vshll.u32 v56, $0x3  }
0x1bc: {  	v44 =	vand.u32 $0x7A, v56;
	v45 =	vand.u32 $0xFFFFFC00, v58  }
0x1bd: {  	v44 =	vor.u32 v44, v45  }
0x1be: {  	v45 =	vadd.s32 v1, v44;
	v43 =	vld.idx.msk [tilespmem:v57+s18+$0x0], $0xffff  }
0x1bf: {  	v42 =	vor.u32 v7, v42;
	_ =	sdelay $0x3  }
0x1c0: {  	[tilespmem:v45+s28+$0x0] =	vst.idx.msk $0xffff, v43  }
0x1c1: {  	s4 =	sadd.s32 $0xFFFFFFF4, s1;
	v59 =	vadd.s32 v3, v44;
	v42 =	vld.idx.msk [tilespmem:v42+s18+$0x0], $0xffff  }
0x1c2: {  	v60 =	vmov s4;
	_ =	sdelay $0x3  }
0x1c3: {  	[tilespmem:v59+s28+$0x0] =	vst.idx.msk $0xffff, v42  }
0x1c4: {  	v42 =	vld.idx.msk [tilespmem:v60+s3+$0x0], $0xffff;
	_ =	sdelay $0x4  }
0x1c5: {  	v42 =	vand.u32 $0x7F, v42  }
0x1c6: {  	v61 =	vor.u32 v8, v42;
	_ =	sdelay $0x1  }
0x1c7: {  	v62 =	vshll.u32 v60, $0x3  }
0x1c8: {  	v44 =	vand.u32 $0x7B, v60;
	v45 =	vand.u32 $0xFFFFFC00, v62  }
0x1c9: {  	v44 =	vor.u32 v44, v45  }
0x1ca: {  	v45 =	vadd.s32 v1, v44;
	v43 =	vld.idx.msk [tilespmem:v61+s18+$0x0], $0xffff  }
0x1cb: {  	v42 =	vor.u32 v9, v42;
	_ =	sdelay $0x3  }
0x1cc: {  	[tilespmem:v45+s28+$0x0] =	vst.idx.msk $0xffff, v43  }
0x1cd: {  	s4 =	sadd.s32 $0xFFFFFFF5, s1;
	v63 =	vadd.s32 v3, v44;
	v42 =	vld.idx.msk [tilespmem:v42+s18+$0x0], $0xffff  }
0x1ce: {  	v48 =	vmov s4;
	_ =	sdelay $0x3  }
0x1cf: {  	[tilespmem:v63+s28+$0x0] =	vst.idx.msk $0xffff, v42  }
0x1d0: {  	v42 =	vld.idx.msk [tilespmem:v48+s3+$0x0], $0xffff;
	_ =	sdelay $0x4  }
0x1d1: {  	v42 =	vand.u32 $0x7F, v42  }
0x1d2: {  	v49 =	vor.u32 v10, v42;
	_ =	sdelay $0x1  }
0x1d3: {  	v50 =	vshll.u32 v48, $0x3  }
0x1d4: {  	v44 =	vand.u32 $0x7C, v48;
	v45 =	vand.u32 $0xFFFFFC00, v50  }
0x1d5: {  	v44 =	vor.u32 v44, v45  }
0x1d6: {  	v45 =	vadd.s32 v1, v44;
	v43 =	vld.idx.msk [tilespmem:v49+s18+$0x0], $0xffff  }
0x1d7: {  	v42 =	vor.u32 v11, v42;
	_ =	sdelay $0x3  }
0x1d8: {  	[tilespmem:v45+s28+$0x0] =	vst.idx.msk $0xffff, v43  }
0x1d9: {  	s4 =	sadd.s32 $0xFFFFFFF6, s1;
	v51 =	vadd.s32 v3, v44;
	v42 =	vld.idx.msk [tilespmem:v42+s18+$0x0], $0xffff  }
0x1da: {  	v52 =	vmov s4;
	_ =	sdelay $0x3  }
0x1db: {  	[tilespmem:v51+s28+$0x0] =	vst.idx.msk $0xffff, v42  }
0x1dc: {  	v42 =	vld.idx.msk [tilespmem:v52+s3+$0x0], $0xffff;
	_ =	sdelay $0x4  }
0x1dd: {  	v42 =	vand.u32 $0x7F, v42  }
0x1de: {  	v53 =	vor.u32 v12, v42;
	_ =	sdelay $0x1  }
0x1df: {  	v54 =	vshll.u32 v52, $0x3  }
0x1e0: {  	v44 =	vand.u32 $0x7D, v52;
	v45 =	vand.u32 $0xFFFFFC00, v54  }
0x1e1: {  	v44 =	vor.u32 v44, v45  }
0x1e2: {  	v45 =	vadd.s32 v1, v44;
	v43 =	vld.idx.msk [tilespmem:v53+s18+$0x0], $0xffff  }
0x1e3: {  	v42 =	vor.u32 v13, v42;
	_ =	sdelay $0x3  }
0x1e4: {  	[tilespmem:v45+s28+$0x0] =	vst.idx.msk $0xffff, v43  }
0x1e5: {  	s4 =	sadd.s32 $0xFFFFFFF7, s1;
	v55 =	vadd.s32 v3, v44;
	v42 =	vld.idx.msk [tilespmem:v42+s18+$0x0], $0xffff  }
0x1e6: {  	v56 =	vmov s4;
	_ =	sdelay $0x3  }
0x1e7: {  	[tilespmem:v55+s28+$0x0] =	vst.idx.msk $0xffff, v42  }
0x1e8: {  	v42 =	vld.idx.msk [tilespmem:v56+s3+$0x0], $0xffff;
	_ =	sdelay $0x4  }
0x1e9: {  	v42 =	vand.u32 $0x7F, v42  }
0x1ea: {  	v57 =	vor.u32 v14, v42;
	_ =	sdelay $0x1  }
0x1eb: {  	v58 =	vshll.u32 v56, $0x3  }
0x1ec: {  	v44 =	vand.u32 $0x7E, v56;
	v45 =	vand.u32 $0xFFFFFC00, v58  }
0x1ed: {  	v44 =	vor.u32 v44, v45  }
0x1ee: {  	v45 =	vadd.s32 v1, v44;
	v43 =	vld.idx.msk [tilespmem:v57+s18+$0x0], $0xffff  }
0x1ef: {  	v42 =	vor.u32 v15, v42;
	_ =	sdelay $0x3  }
0x1f0: {  	[tilespmem:v45+s28+$0x0] =	vst.idx.msk $0xffff, v43  }
0x1f1: {  	s4 =	sadd.s32 $0xFFFFFFF8, s1;
	v59 =	vadd.s32 v3, v44;
	v42 =	vld.idx.msk [tilespmem:v42+s18+$0x0], $0xffff  }
0x1f2: {  	v60 =	vmov s4;
	_ =	sdelay $0x3  }
0x1f3: {  	[tilespmem:v59+s28+$0x0] =	vst.idx.msk $0xffff, v42  }
0x1f4: {  	v42 =	vld.idx.msk [tilespmem:v60+s3+$0x0], $0xffff;
	_ =	sdelay $0x4  }
0x1f5: {  	v42 =	vand.u32 $0x7F, v42  }
0x1f6: {  	v61 =	vor.u32 v16, v42;
	_ =	sdelay $0x1  }
0x1f7: {  	v62 =	vshll.u32 v60, $0x3  }
0x1f8: {  	v44 =	vand.u32 $0x7F, v60;
	v45 =	vand.u32 $0xFFFFFC00, v62  }
0x1f9: {  	v44 =	vor.u32 v44, v45  }
0x1fa: {  	v45 =	vadd.s32 v1, v44;
	v43 =	vld.idx.msk [tilespmem:v61+s18+$0x0], $0xffff  }
0x1fb: {  	v42 =	vor.u32 v17, v42;
	_ =	sdelay $0x3  }
0x1fc: {  	[tilespmem:v45+s28+$0x0] =	vst.idx.msk $0xffff, v43  }
0x1fd: {  	v63 =	vadd.s32 v3, v44;
	v42 =	vld.idx.msk [tilespmem:v42+s18+$0x0], $0xffff  }
.Ltmp5:
0x1fe: {  	_ = 	snop;
	(pc) =	sbr.rel .LBB2_4-.Ltmp5, $2  }
0x1ff: {  	_ =	sdelay $0x2  }
0x200: {  	[tilespmem:v63+s28+$0x0] =	vst.idx.msk $0xffff, v42  }
.LBB2_6:
0x201: {  	_ =	sfence.sel $0x180000  }
0x202: {  	[bflag:$0x0] =	sbarrier.arrive $0xFFFF  }
0x203: {  	_ =	strace $0x90000047  }
0x204: {  	s0 =	stileid.u32;
	[bflag:$0x2] =	sbarrier.arrive $0xFFFF  }
0x205: {  	p0 =	sne.s32 s0, $0x0;
	s0 =	rddreg [dreg:$0x3]  }
0x206: {  	s0 =	sadd.s32 @!p0 $0x100000, s0  }
0x207: {  	[sflag:s0] =	ssyncadd.tile.s32 @!p0 $0x1;
	_ =	shalt  }
.Lfunc_end2:
_tile_overlayer_lowered:
.L_overlay_start_2:
0x208: {  	(tag) =	ssettag $0x2  }
0x209: {  	s0 =	rddreg [dreg:$0x0];
	s2 =	stileid.u32  }
0x20a: {  	s1 =	rddreg [dreg:$0x1];
	p0 =	sne.s32 s2, $0x0  }
0x20b: {  	s3 =	rddreg [dreg:$0x2];
	[bflag:$0x3] =	sbarrier.arrive $0xFFFF;
	s2 =	simm.s32 @!p0 $0x1C03  }
0x20c: {  	[timem:s3], [sflag:s2] =	dma.local @!p0 [hbm:s0], s1  }
0x20d: {  	s0 =	simm.s32 @!p0 $0x3  }
0x20e: {  	_ =	swait.ge @!p0 [sflag:s0], s1  }
0x20f: {  	s1 =	ssub.s32 @!p0 $0x0, s1;
	[sflag:s0] =	ssyncset.done @!p0 $0x0  }
0x210: {  	[sflag:s0] =	ssyncadd.s32 @!p0 s1  }
0x211: {  	[bflag:$0x3] =	sbarrier.arrive $0xFFFF  }
0x212: {  	_ =	shalt  }

</sc_bundles>
